<compile_context>
chip_gen: v7x
topology: tpu7x:2x2x1
jax: 0.10.2.dev20260603
libtpu: 0.0.44.dev20260713+nightly
codegen_flags: <defaults>
</compile_context>

<pallas_src>
import jax
import jax.numpy as jnp
from jax import lax
from jax.experimental import pallas as pl
from jax.experimental.pallas import tpu as pltpu
from jax.experimental.pallas import tpu_sc as plsc

N = 10000
E = 320000
D = 128
Z = 64
NC = 2
NS = 16
NW = NC * NS
EPW = E // NW
K = 128
CH = 80
EPW2 = CH * K
PADE = EPW2 - EPW
NACC = 10016
NPAD = 10240
DPS = NPAD // NS
RS = 624
TAIL = N - NS * RS

_mesh = plsc.VectorSubcoreMesh(core_axis_name="c", subcore_axis_name="s")


def _deg_body(dst_hbm, deg_out, didx2, ones_v, zbuf_v, degacc, ssem):
    c = lax.axis_index("c")
    s = lax.axis_index("s")
    wid = s * NC + c
    pltpu.sync_copy(dst_hbm.at[wid], didx2)
    for k in range(K // 16):
        ones_v[pl.ds(16 * k, 16)] = jnp.full((16,), 1.0, jnp.float32)
    for k in range(DPS // 16):
        zbuf_v[pl.ds(16 * k, 16)] = jnp.zeros((16,), jnp.float32)
    pltpu.sync_copy(zbuf_v, degacc.at[pl.ds(s * DPS, DPS)])
    plsc.subcore_barrier()

    def fire(j, carry):
        pltpu.async_copy(ones_v, degacc.at[didx2.at[j]], ssem, add=True)
        return carry

    lax.fori_loop(0, CH, fire, 0)

    def drain(j, carry):
        pltpu.make_async_copy(ones_v, degacc.at[didx2.at[j]], ssem).wait()
        return carry

    lax.fori_loop(0, CH, drain, 0)
    plsc.subcore_barrier()
    pltpu.sync_copy(degacc.at[pl.ds(s * DPS, DPS)],
                    deg_out.at[pl.ds(c * NPAD + s * DPS, DPS)])


def _sc_deg(dst_r):
    return pl.kernel(
        _deg_body,
        out_type=jax.ShapeDtypeStruct((NC * NPAD,), jnp.float32),
        mesh=_mesh,
        scratch_types=[
            pltpu.VMEM((CH, K), jnp.int32),
            pltpu.VMEM((K,), jnp.float32),
            pltpu.VMEM((DPS,), jnp.float32),
            pltpu.VMEM_SHARED((NPAD,), jnp.float32),
            pltpu.SemaphoreType.DMA,
        ],
    )(dst_r)


def _agg_body(src_hbm, dst_hbm, y_hbm, out_hbm, si0, si1, di0, di1, r0, r1,
              acc, i0, i1, g0, g1):
    c = lax.axis_index("c")
    s = lax.axis_index("s")
    wid = s * NC + c
    base = wid * EPW2
    sidx = [si0, si1]
    didx = [di0, di1]
    rows = [r0, r1]
    isem = [i0, i1]
    gsem = [g0, g1]
    pltpu.sync_copy(y_hbm.at[pl.ds(s * RS, RS)], acc.at[pl.ds(s * RS, RS)])

    @pl.when(s == 0)
    def _():
        pltpu.sync_copy(y_hbm.at[pl.ds(NS * RS, TAIL)],
                        acc.at[pl.ds(NS * RS, TAIL)])

    plsc.subcore_barrier()

    def enq_idx(j, b):
        off = pl.multiple_of(base + j * K, K)
        pltpu.async_copy(src_hbm.at[pl.ds(off, K)], sidx[b], isem[b])
        pltpu.async_copy(dst_hbm.at[pl.ds(off, K)], didx[b], isem[b])

    def drain_idx(j, b):
        off = pl.multiple_of(base + j * K, K)
        pltpu.make_async_copy(src_hbm.at[pl.ds(off, K)], sidx[b],
                              isem[b]).wait()
        pltpu.make_async_copy(dst_hbm.at[pl.ds(off, K)], didx[b],
                              isem[b]).wait()

    for b in range(2):
        enq_idx(b, b)
        drain_idx(b, b)
        pltpu.async_copy(y_hbm.at[sidx[b]], rows[b], gsem[b])

    def body(t, carry):
        for b in range(2):
            j = 2 * t + b
            pltpu.make_async_copy(y_hbm.at[sidx[b]], rows[b],
                                  gsem[b]).wait()

            @pl.when(j + 2 < CH)
            def _(b=b, j=j):
                enq_idx(j + 2, b)

            pltpu.sync_copy(rows[b], acc.at[didx[b]], add=True)

            @pl.when(j + 2 < CH)
            def _(b=b, j=j):
                drain_idx(j + 2, b)
                pltpu.async_copy(y_hbm.at[sidx[b]], rows[b], gsem[b])

        return carry

    lax.fori_loop(0, CH // 2, body, 0)
    plsc.subcore_barrier()
    pltpu.sync_copy(acc.at[pl.ds(s * RS, RS)],
                    out_hbm.at[c, pl.ds(s * RS, RS)])

    @pl.when(s == 0)
    def _():
        pltpu.sync_copy(acc.at[pl.ds(NS * RS, TAIL)],
                        out_hbm.at[c, pl.ds(NS * RS, TAIL)])


_sc_agg = pl.kernel(
        _agg_body,
        out_type=jax.ShapeDtypeStruct((NC, N, D), jnp.float32),
        mesh=_mesh,
        scratch_types=[
            pltpu.VMEM((K,), jnp.int32),
            pltpu.VMEM((K,), jnp.int32),
            pltpu.VMEM((K,), jnp.int32),
            pltpu.VMEM((K,), jnp.int32),
            pltpu.VMEM((K, D), jnp.float32),
            pltpu.VMEM((K, D), jnp.float32),
            pltpu.VMEM_SHARED((NACC, D), jnp.float32),
            pltpu.SemaphoreType.DMA,
            pltpu.SemaphoreType.DMA,
            pltpu.SemaphoreType.DMA,
            pltpu.SemaphoreType.DMA,
        ],
    )


B = 2000


def _m1_body(degT_ref, x_ref, w_ref, y1_ref, dinv_ref):
    deg = degT_ref[:, 0:1] + degT_ref[:, 1:2] + 1.0
    dinv = lax.rsqrt(deg)
    dinv_ref[...] = dinv
    xw = jnp.dot(x_ref[...], w_ref[...], preferred_element_type=jnp.float32,
                 precision=lax.Precision.HIGHEST)
    y1_ref[...] = xw * dinv


def _m1(degT, x, W):
    return pl.pallas_call(
        _m1_body,
        grid=(N // B,),
        in_specs=[
            pl.BlockSpec((B, 2), lambda i: (i, 0)),
            pl.BlockSpec((B, D), lambda i: (i, 0)),
            pl.BlockSpec((D, D), lambda i: (0, 0)),
        ],
        out_specs=[
            pl.BlockSpec((B, D), lambda i: (i, 0)),
            pl.BlockSpec((B, 1), lambda i: (i, 0)),
        ],
        out_shape=[
            jax.ShapeDtypeStruct((N, D), jnp.float32),
            jax.ShapeDtypeStruct((N, 1), jnp.float32),
        ],
    )(degT, x, W)


def _m2_body(p_ref, y1_ref, dinv_ref, bh_ref, wcat_ref, y2_ref):
    dinv = dinv_ref[...]
    pre = (p_ref[0] + p_ref[1] - y1_ref[...]) * dinv + bh_ref[...]
    h = jnp.maximum(pre, 0.0)
    y2_ref[...] = jnp.dot(h, wcat_ref[...], preferred_element_type=jnp.float32,
                          precision=lax.Precision.HIGHEST) * dinv


def _m2(P, y1, dinv, bh, Wcat):
    return pl.pallas_call(
        _m2_body,
        grid=(N // B,),
        in_specs=[
            pl.BlockSpec((NC, B, D), lambda i: (0, i, 0)),
            pl.BlockSpec((B, D), lambda i: (i, 0)),
            pl.BlockSpec((B, 1), lambda i: (i, 0)),
            pl.BlockSpec((1, D), lambda i: (0, 0)),
            pl.BlockSpec((D, D), lambda i: (0, 0)),
        ],
        out_specs=pl.BlockSpec((B, D), lambda i: (i, 0)),
        out_shape=jax.ShapeDtypeStruct((N, D), jnp.float32),
    )(P, y1, dinv, bh, Wcat)


def _m3_body(q_ref, y2_ref, dinv_ref, bcat_ref, out_ref):
    out_ref[...] = ((q_ref[0] + q_ref[1] - y2_ref[...]) * dinv_ref[...]
                    + bcat_ref[...])


def _m3(Q, y2, dinv, bcat):
    return pl.pallas_call(
        _m3_body,
        grid=(N // B,),
        in_specs=[
            pl.BlockSpec((NC, B, D), lambda i: (0, i, 0)),
            pl.BlockSpec((B, D), lambda i: (i, 0)),
            pl.BlockSpec((B, 1), lambda i: (i, 0)),
            pl.BlockSpec((1, D), lambda i: (0, 0)),
        ],
        out_specs=pl.BlockSpec((B, D), lambda i: (i, 0)),
        out_shape=jax.ShapeDtypeStruct((N, D), jnp.float32),
    )(Q, y2, dinv, bcat)


def kernel(x, edge_index, W_h, b_h, W_mu, b_mu, W_ls, b_ls):
    src = edge_index[0].reshape(NW, EPW)
    dst = edge_index[1].reshape(NW, EPW)
    pad_s = jnp.zeros((NW, PADE), jnp.int32)
    pad_d = jnp.full((NW, PADE), N, jnp.int32)
    src_r = jnp.concatenate([src, pad_s], axis=1).reshape(NW, CH, K)
    dst_r = jnp.concatenate([dst, pad_d], axis=1).reshape(NW, CH, K)
    W_cat = jnp.concatenate([W_mu, W_ls], axis=1)
    b_cat = jnp.concatenate([b_mu, b_ls])[None, :]

    src_flat = src_r.reshape(-1)
    dst_flat = dst_r.reshape(-1)
    deg_flat = _sc_deg(dst_r)
    degT = deg_flat.reshape(NC, NPAD)[:, :N].T
    y1, dinv = _m1(degT, x, W_h)
    P = _sc_agg(src_flat, dst_flat, y1)
    y2 = _m2(P, y1, dinv, b_h[None, :], W_cat)
    Q = _sc_agg(src_flat, dst_flat, y2)
    out = _m3(Q, y2, dinv, b_cat)
    return out[:, :Z], out[:, Z:]

# --- scband reference (transcript-rebuilt; emitter-appended) ---
"""Pipeline reference for scband-variational-gcnencoder-11854109737065 (READ-ONLY COPY).

The authoritative reference and input builder live on the scoring server;
editing this copy changes nothing except your own understanding.
"""

import jax, jax.numpy as jnp
import numpy as np

N = 10000
E = 320000
D_IN = 128
H = 128
Z = 64


def setup_inputs(seed: int = 0) -> dict:
    key = jax.random.key(seed)
    ks = jax.random.split(key, 8)
    x = jax.random.normal(ks[0], (N, D_IN), dtype=jnp.float32)
    edge_index = jax.random.randint(ks[1], (2, E), 0, N, dtype=jnp.int32)
    W_h = jax.random.normal(ks[2], (D_IN, H), dtype=jnp.float32) * (1.0 / np.sqrt(D_IN))
    b_h = jnp.zeros((H,), dtype=jnp.float32)
    W_mu = jax.random.normal(ks[3], (H, Z), dtype=jnp.float32) * (1.0 / np.sqrt(H))
    b_mu = jnp.zeros((Z,), dtype=jnp.float32)
    W_ls = jax.random.normal(ks[4], (H, Z), dtype=jnp.float32) * (1.0 / np.sqrt(H))
    b_ls = jnp.zeros((Z,), dtype=jnp.float32)
    return {"x": x, "edge_index": edge_index, "W_h": W_h, "b_h": b_h,
            "W_mu": W_mu, "b_mu": b_mu, "W_ls": W_ls, "b_ls": b_ls}


def _gcn_conv(x, edge_index, W, b):
    # GCNConv: x @ W, then symmetric-normalized aggregation with self-loops, + bias
    src = edge_index[0]
    dst = edge_index[1]
    loop = jnp.arange(N, dtype=src.dtype)
    src = jnp.concatenate([src, loop])
    dst = jnp.concatenate([dst, loop])
    deg = jnp.zeros((N,), dtype=jnp.float32).at[dst].add(1.0)
    dinv = jnp.where(deg > 0, jax.lax.rsqrt(jnp.maximum(deg, 1e-12)), 0.0)
    norm = dinv[src] * dinv[dst]
    h = x @ W
    msg = jnp.take(h, src, axis=0) * norm[:, None]
    out = jnp.zeros((N, W.shape[1]), dtype=jnp.float32).at[dst].add(msg)
    return out + b


def reference(x, edge_index, W_h, b_h, W_mu, b_mu, W_ls, b_ls):
    h = jax.nn.relu(_gcn_conv(x, edge_index, W_h, b_h))
    mu = _gcn_conv(h, edge_index, W_mu, b_mu)
    logstd = _gcn_conv(h, edge_index, W_ls, b_ls)
    return (mu, logstd)

if __name__ == "__main__":
    import jax
    _d = setup_inputs()
    print(jax.jit(kernel)(*tuple(_d.values())))

</pallas_src>

<mosaic_0001>
#map = affine_map<(d0, d1) -> (0, 0, 0)>
#map1 = affine_map<(d0, d1) -> (0)>
module attributes {stable_mosaic.version = 14 : i64} {
  func.func @_deg_body(%arg0: i32, %arg1: i32, %arg2: memref<32x80x128xi32, #tpu.memory_space<hbm>>, %arg3: memref<20480xf32, #tpu.memory_space<hbm>>, %arg4: memref<80x128xi32, #tpu.memory_space<vmem>>, %arg5: memref<128xf32, #tpu.memory_space<vmem>>, %arg6: memref<640xf32, #tpu.memory_space<vmem>>, %arg7: memref<10240xf32, #tpu.memory_space<vmem_shared>>, %arg8: memref<!tpu.dma_semaphore, #tpu.memory_space<semaphore_mem>>) attributes {dimension_semantics = [#tpu.dimension_semantics<core_parallel>, #tpu.dimension_semantics<subcore_parallel>], iteration_bounds = array<i64: 2, 16>, scalar_prefetch = 0 : i64, scratch_operands = 5 : i64, tpu.core_type = #tpu.core_type<sc_vector_subcore>, window_params = [{transform_indices = #map}, {transform_indices = #map1}]} {
    %mul3A = arith.constant 2 : i32
    %mul3A_0 = arith.muli %arg1, %mul3A : i32
    %add3A = arith.addi %mul3A_0, %arg0 : i32
    "tpu.region"() ({
      %run_scoped3A = tpu.sem_alloc : memref<!tpu.dma_semaphore, #tpu.memory_space<semaphore_mem>>
      %dma_start3A = arith.constant 0 : i32
      %dma_start3A_308 = arith.constant 0 : i32
      %dma_start3A_309 = tpu.memref_slice %arg2[%add3A, %dma_start3A, %dma_start3A_308] : memref<32x80x128xi32, #tpu.memory_space<hbm>> -> memref<1x80x128xi32, #tpu.memory_space<hbm>>
      %dma_start3A_310 = tpu.memref_squeeze %dma_start3A_309 : memref<1x80x128xi32, #tpu.memory_space<hbm>> -> memref<80x128xi32, #tpu.memory_space<hbm>>
      %dma_start3A_311 = arith.constant 0 : i32
      %dma_start3A_312 = arith.constant 0 : i32
      %dma_start3A_313 = tpu.memref_slice %arg2[%add3A, %dma_start3A_311, %dma_start3A_312] : memref<32x80x128xi32, #tpu.memory_space<hbm>> -> memref<1x80x128xi32, #tpu.memory_space<hbm>>
      %dma_start3A_314 = tpu.memref_squeeze %dma_start3A_313 : memref<1x80x128xi32, #tpu.memory_space<hbm>> -> memref<80x128xi32, #tpu.memory_space<hbm>>
      tpu.enqueue_dma source(%dma_start3A_314 : memref<80x128xi32, #tpu.memory_space<hbm>>) target(%arg4 : memref<80x128xi32, #tpu.memory_space<vmem>>) target_semaphore(%run_scoped3A : memref<!tpu.dma_semaphore, #tpu.memory_space<semaphore_mem>>)
      %dma_wait3A = arith.constant 0 : i32
      %dma_wait3A_315 = arith.constant 0 : i32
      %dma_wait3A_316 = tpu.memref_slice %arg2[%add3A, %dma_wait3A, %dma_wait3A_315] : memref<32x80x128xi32, #tpu.memory_space<hbm>> -> memref<1x80x128xi32, #tpu.memory_space<hbm>>
      %dma_wait3A_317 = tpu.memref_squeeze %dma_wait3A_316 : memref<1x80x128xi32, #tpu.memory_space<hbm>> -> memref<80x128xi32, #tpu.memory_space<hbm>>
      %dma_wait3A_318 = arith.constant 0 : i32
      %dma_wait3A_319 = arith.constant 0 : i32
      %dma_wait3A_320 = tpu.memref_slice %arg2[%add3A, %dma_wait3A_318, %dma_wait3A_319] : memref<32x80x128xi32, #tpu.memory_space<hbm>> -> memref<1x80x128xi32, #tpu.memory_space<hbm>>
      %dma_wait3A_321 = tpu.memref_squeeze %dma_wait3A_320 : memref<1x80x128xi32, #tpu.memory_space<hbm>> -> memref<80x128xi32, #tpu.memory_space<hbm>>
      tpu.wait_dma2 semaphore(%run_scoped3A : memref<!tpu.dma_semaphore, #tpu.memory_space<semaphore_mem>>) src(%dma_wait3A_321 : memref<80x128xi32, #tpu.memory_space<hbm>>) dst(%arg4 : memref<80x128xi32, #tpu.memory_space<vmem>>)
      tpu.yield
    }) : () -> ()
    %broadcast_in_dim3A = arith.constant 1.000000e+00 : f32
    %broadcast_in_dim3A_1 = vector.broadcast %broadcast_in_dim3A : f32 to vector<16xf32>
    %swap3A = arith.constant 0 : index
    %swap3A_2 = tpu.vector_load %arg5[%swap3A] {strides = array<i32>} : memref<128xf32, #tpu.memory_space<vmem>>, vector<16xf32>,
    %swap3A_3 = vector.shape_cast %swap3A_2 : vector<16xf32> to vector<16xf32>
    %swap3A_4 = vector.shape_cast %broadcast_in_dim3A_1 : vector<16xf32> to vector<16xf32>
    tpu.vector_store %arg5[%swap3A], %swap3A_4 {strides = array<i32>} : memref<128xf32, #tpu.memory_space<vmem>>, vector<16xf32>,
    %broadcast_in_dim3A_5 = arith.constant 1.000000e+00 : f32
    %broadcast_in_dim3A_6 = vector.broadcast %broadcast_in_dim3A_5 : f32 to vector<16xf32>
    %swap3A_7 = arith.constant 16 : index
    %swap3A_8 = tpu.vector_load %arg5[%swap3A_7] {strides = array<i32>} : memref<128xf32, #tpu.memory_space<vmem>>, vector<16xf32>,
    %swap3A_9 = vector.shape_cast %swap3A_8 : vector<16xf32> to vector<16xf32>
    %swap3A_10 = vector.shape_cast %broadcast_in_dim3A_6 : vector<16xf32> to vector<16xf32>
    tpu.vector_store %arg5[%swap3A_7], %swap3A_10 {strides = array<i32>} : memref<128xf32, #tpu.memory_space<vmem>>, vector<16xf32>,
    %broadcast_in_dim3A_11 = arith.constant 1.000000e+00 : f32
    %broadcast_in_dim3A_12 = vector.broadcast %broadcast_in_dim3A_11 : f32 to vector<16xf32>
    %swap3A_13 = arith.constant 32 : index
    %swap3A_14 = tpu.vector_load %arg5[%swap3A_13] {strides = array<i32>} : memref<128xf32, #tpu.memory_space<vmem>>, vector<16xf32>,
    %swap3A_15 = vector.shape_cast %swap3A_14 : vector<16xf32> to vector<16xf32>
    %swap3A_16 = vector.shape_cast %broadcast_in_dim3A_12 : vector<16xf32> to vector<16xf32>
    tpu.vector_store %arg5[%swap3A_13], %swap3A_16 {strides = array<i32>} : memref<128xf32, #tpu.memory_space<vmem>>, vector<16xf32>,
    %broadcast_in_dim3A_17 = arith.constant 1.000000e+00 : f32
    %broadcast_in_dim3A_18 = vector.broadcast %broadcast_in_dim3A_17 : f32 to vector<16xf32>
    %swap3A_19 = arith.constant 48 : index
    %swap3A_20 = tpu.vector_load %arg5[%swap3A_19] {strides = array<i32>} : memref<128xf32, #tpu.memory_space<vmem>>, vector<16xf32>,
    %swap3A_21 = vector.shape_cast %swap3A_20 : vector<16xf32> to vector<16xf32>
    %swap3A_22 = vector.shape_cast %broadcast_in_dim3A_18 : vector<16xf32> to vector<16xf32>
    tpu.vector_store %arg5[%swap3A_19], %swap3A_22 {strides = array<i32>} : memref<128xf32, #tpu.memory_space<vmem>>, vector<16xf32>,
    %broadcast_in_dim3A_23 = arith.constant 1.000000e+00 : f32
    %broadcast_in_dim3A_24 = vector.broadcast %broadcast_in_dim3A_23 : f32 to vector<16xf32>
    %swap3A_25 = arith.constant 64 : index
    %swap3A_26 = tpu.vector_load %arg5[%swap3A_25] {strides = array<i32>} : memref<128xf32, #tpu.memory_space<vmem>>, vector<16xf32>,
    %swap3A_27 = vector.shape_cast %swap3A_26 : vector<16xf32> to vector<16xf32>
    %swap3A_28 = vector.shape_cast %broadcast_in_dim3A_24 : vector<16xf32> to vector<16xf32>
    tpu.vector_store %arg5[%swap3A_25], %swap3A_28 {strides = array<i32>} : memref<128xf32, #tpu.memory_space<vmem>>, vector<16xf32>,
    %broadcast_in_dim3A_29 = arith.constant 1.000000e+00 : f32
    %broadcast_in_dim3A_30 = vector.broadcast %broadcast_in_dim3A_29 : f32 to vector<16xf32>
    %swap3A_31 = arith.constant 80 : index
    %swap3A_32 = tpu.vector_load %arg5[%swap3A_31] {strides = array<i32>} : memref<128xf32, #tpu.memory_space<vmem>>, vector<16xf32>,
    %swap3A_33 = vector.shape_cast %swap3A_32 : vector<16xf32> to vector<16xf32>
    %swap3A_34 = vector.shape_cast %broadcast_in_dim3A_30 : vector<16xf32> to vector<16xf32>
    tpu.vector_store %arg5[%swap3A_31], %swap3A_34 {strides = array<i32>} : memref<128xf32, #tpu.memory_space<vmem>>, vector<16xf32>,
    %broadcast_in_dim3A_35 = arith.constant 1.000000e+00 : f32
    %broadcast_in_dim3A_36 = vector.broadcast %broadcast_in_dim3A_35 : f32 to vector<16xf32>
    %swap3A_37 = arith.constant 96 : index
    %swap3A_38 = tpu.vector_load %arg5[%swap3A_37] {strides = array<i32>} : memref<128xf32, #tpu.memory_space<vmem>>, vector<16xf32>,
    %swap3A_39 = vector.shape_cast %swap3A_38 : vector<16xf32> to vector<16xf32>
    %swap3A_40 = vector.shape_cast %broadcast_in_dim3A_36 : vector<16xf32> to vector<16xf32>
    tpu.vector_store %arg5[%swap3A_37], %swap3A_40 {strides = array<i32>} : memref<128xf32, #tpu.memory_space<vmem>>, vector<16xf32>,
    %broadcast_in_dim3A_41 = arith.constant 1.000000e+00 : f32
    %broadcast_in_dim3A_42 = vector.broadcast %broadcast_in_dim3A_41 : f32 to vector<16xf32>
    %swap3A_43 = arith.constant 112 : index
    %swap3A_44 = tpu.vector_load %arg5[%swap3A_43] {strides = array<i32>} : memref<128xf32, #tpu.memory_space<vmem>>, vector<16xf32>,
    %swap3A_45 = vector.shape_cast %swap3A_44 : vector<16xf32> to vector<16xf32>
    %swap3A_46 = vector.shape_cast %broadcast_in_dim3A_42 : vector<16xf32> to vector<16xf32>
    tpu.vector_store %arg5[%swap3A_43], %swap3A_46 {strides = array<i32>} : memref<128xf32, #tpu.memory_space<vmem>>, vector<16xf32>,
    %broadcast_in_dim3A_47 = arith.constant 0.000000e+00 : f32
    %broadcast_in_dim3A_48 = vector.broadcast %broadcast_in_dim3A_47 : f32 to vector<16xf32>
    %swap3A_49 = arith.constant 0 : index
    %swap3A_50 = tpu.vector_load %arg6[%swap3A_49] {strides = array<i32>} : memref<640xf32, #tpu.memory_space<vmem>>, vector<16xf32>,
    %swap3A_51 = vector.shape_cast %swap3A_50 : vector<16xf32> to vector<16xf32>
    %swap3A_52 = vector.shape_cast %broadcast_in_dim3A_48 : vector<16xf32> to vector<16xf32>
    tpu.vector_store %arg6[%swap3A_49], %swap3A_52 {strides = array<i32>} : memref<640xf32, #tpu.memory_space<vmem>>, vector<16xf32>,
    %broadcast_in_dim3A_53 = arith.constant 0.000000e+00 : f32
    %broadcast_in_dim3A_54 = vector.broadcast %broadcast_in_dim3A_53 : f32 to vector<16xf32>
    %swap3A_55 = arith.constant 16 : index
    %swap3A_56 = tpu.vector_load %arg6[%swap3A_55] {strides = array<i32>} : memref<640xf32, #tpu.memory_space<vmem>>, vector<16xf32>,
    %swap3A_57 = vector.shape_cast %swap3A_56 : vector<16xf32> to vector<16xf32>
    %swap3A_58 = vector.shape_cast %broadcast_in_dim3A_54 : vector<16xf32> to vector<16xf32>
    tpu.vector_store %arg6[%swap3A_55], %swap3A_58 {strides = array<i32>} : memref<640xf32, #tpu.memory_space<vmem>>, vector<16xf32>,
    %broadcast_in_dim3A_59 = arith.constant 0.000000e+00 : f32
    %broadcast_in_dim3A_60 = vector.broadcast %broadcast_in_dim3A_59 : f32 to vector<16xf32>
    %swap3A_61 = arith.constant 32 : index
    %swap3A_62 = tpu.vector_load %arg6[%swap3A_61] {strides = array<i32>} : memref<640xf32, #tpu.memory_space<vmem>>, vector<16xf32>,
    %swap3A_63 = vector.shape_cast %swap3A_62 : vector<16xf32> to vector<16xf32>
    %swap3A_64 = vector.shape_cast %broadcast_in_dim3A_60 : vector<16xf32> to vector<16xf32>
    tpu.vector_store %arg6[%swap3A_61], %swap3A_64 {strides = array<i32>} : memref<640xf32, #tpu.memory_space<vmem>>, vector<16xf32>,
    %broadcast_in_dim3A_65 = arith.constant 0.000000e+00 : f32
    %broadcast_in_dim3A_66 = vector.broadcast %broadcast_in_dim3A_65 : f32 to vector<16xf32>
    %swap3A_67 = arith.constant 48 : index
    %swap3A_68 = tpu.vector_load %arg6[%swap3A_67] {strides = array<i32>} : memref<640xf32, #tpu.memory_space<vmem>>, vector<16xf32>,
    %swap3A_69 = vector.shape_cast %swap3A_68 : vector<16xf32> to vector<16xf32>
    %swap3A_70 = vector.shape_cast %broadcast_in_dim3A_66 : vector<16xf32> to vector<16xf32>
    tpu.vector_store %arg6[%swap3A_67], %swap3A_70 {strides = array<i32>} : memref<640xf32, #tpu.memory_space<vmem>>, vector<16xf32>,
    %broadcast_in_dim3A_71 = arith.constant 0.000000e+00 : f32
    %broadcast_in_dim3A_72 = vector.broadcast %broadcast_in_dim3A_71 : f32 to vector<16xf32>
    %swap3A_73 = arith.constant 64 : index
    %swap3A_74 = tpu.vector_load %arg6[%swap3A_73] {strides = array<i32>} : memref<640xf32, #tpu.memory_space<vmem>>, vector<16xf32>,
    %swap3A_75 = vector.shape_cast %swap3A_74 : vector<16xf32> to vector<16xf32>
    %swap3A_76 = vector.shape_cast %broadcast_in_dim3A_72 : vector<16xf32> to vector<16xf32>
    tpu.vector_store %arg6[%swap3A_73], %swap3A_76 {strides = array<i32>} : memref<640xf32, #tpu.memory_space<vmem>>, vector<16xf32>,
    %broadcast_in_dim3A_77 = arith.constant 0.000000e+00 : f32
    %broadcast_in_dim3A_78 = vector.broadcast %broadcast_in_dim3A_77 : f32 to vector<16xf32>
    %swap3A_79 = arith.constant 80 : index
    %swap3A_80 = tpu.vector_load %arg6[%swap3A_79] {strides = array<i32>} : memref<640xf32, #tpu.memory_space<vmem>>, vector<16xf32>,
    %swap3A_81 = vector.shape_cast %swap3A_80 : vector<16xf32> to vector<16xf32>
    %swap3A_82 = vector.shape_cast %broadcast_in_dim3A_78 : vector<16xf32> to vector<16xf32>
    tpu.vector_store %arg6[%swap3A_79], %swap3A_82 {strides = array<i32>} : memref<640xf32, #tpu.memory_space<vmem>>, vector<16xf32>,
    %broadcast_in_dim3A_83 = arith.constant 0.000000e+00 : f32
    %broadcast_in_dim3A_84 = vector.broadcast %broadcast_in_dim3A_83 : f32 to vector<16xf32>
    %swap3A_85 = arith.constant 96 : index
    %swap3A_86 = tpu.vector_load %arg6[%swap3A_85] {strides = array<i32>} : memref<640xf32, #tpu.memory_space<vmem>>, vector<16xf32>,
    %swap3A_87 = vector.shape_cast %swap3A_86 : vector<16xf32> to vector<16xf32>
    %swap3A_88 = vector.shape_cast %broadcast_in_dim3A_84 : vector<16xf32> to vector<16xf32>
    tpu.vector_store %arg6[%swap3A_85], %swap3A_88 {strides = array<i32>} : memref<640xf32, #tpu.memory_space<vmem>>, vector<16xf32>,
    %broadcast_in_dim3A_89 = arith.constant 0.000000e+00 : f32
    %broadcast_in_dim3A_90 = vector.broadcast %broadcast_in_dim3A_89 : f32 to vector<16xf32>
    %swap3A_91 = arith.constant 112 : index
    %swap3A_92 = tpu.vector_load %arg6[%swap3A_91] {strides = array<i32>} : memref<640xf32, #tpu.memory_space<vmem>>, vector<16xf32>,
    %swap3A_93 = vector.shape_cast %swap3A_92 : vector<16xf32> to vector<16xf32>
    %swap3A_94 = vector.shape_cast %broadcast_in_dim3A_90 : vector<16xf32> to vector<16xf32>
    tpu.vector_store %arg6[%swap3A_91], %swap3A_94 {strides = array<i32>} : memref<640xf32, #tpu.memory_space<vmem>>, vector<16xf32>,
    %broadcast_in_dim3A_95 = arith.constant 0.000000e+00 : f32
    %broadcast_in_dim3A_96 = vector.broadcast %broadcast_in_dim3A_95 : f32 to vector<16xf32>
    %swap3A_97 = arith.constant 128 : index
    %swap3A_98 = tpu.vector_load %arg6[%swap3A_97] {strides = array<i32>} : memref<640xf32, #tpu.memory_space<vmem>>, vector<16xf32>,
    %swap3A_99 = vector.shape_cast %swap3A_98 : vector<16xf32> to vector<16xf32>
    %swap3A_100 = vector.shape_cast %broadcast_in_dim3A_96 : vector<16xf32> to vector<16xf32>
    tpu.vector_store %arg6[%swap3A_97], %swap3A_100 {strides = array<i32>} : memref<640xf32, #tpu.memory_space<vmem>>, vector<16xf32>,
    %broadcast_in_dim3A_101 = arith.constant 0.000000e+00 : f32
    %broadcast_in_dim3A_102 = vector.broadcast %broadcast_in_dim3A_101 : f32 to vector<16xf32>
    %swap3A_103 = arith.constant 144 : index
    %swap3A_104 = tpu.vector_load %arg6[%swap3A_103] {strides = array<i32>} : memref<640xf32, #tpu.memory_space<vmem>>, vector<16xf32>,
    %swap3A_105 = vector.shape_cast %swap3A_104 : vector<16xf32> to vector<16xf32>
    %swap3A_106 = vector.shape_cast %broadcast_in_dim3A_102 : vector<16xf32> to vector<16xf32>
    tpu.vector_store %arg6[%swap3A_103], %swap3A_106 {strides = array<i32>} : memref<640xf32, #tpu.memory_space<vmem>>, vector<16xf32>,
    %broadcast_in_dim3A_107 = arith.constant 0.000000e+00 : f32
    %broadcast_in_dim3A_108 = vector.broadcast %broadcast_in_dim3A_107 : f32 to vector<16xf32>
    %swap3A_109 = arith.constant 160 : index
    %swap3A_110 = tpu.vector_load %arg6[%swap3A_109] {strides = array<i32>} : memref<640xf32, #tpu.memory_space<vmem>>, vector<16xf32>,
    %swap3A_111 = vector.shape_cast %swap3A_110 : vector<16xf32> to vector<16xf32>
    %swap3A_112 = vector.shape_cast %broadcast_in_dim3A_108 : vector<16xf32> to vector<16xf32>
    tpu.vector_store %arg6[%swap3A_109], %swap3A_112 {strides = array<i32>} : memref<640xf32, #tpu.memory_space<vmem>>, vector<16xf32>,
    %broadcast_in_dim3A_113 = arith.constant 0.000000e+00 : f32
    %broadcast_in_dim3A_114 = vector.broadcast %broadcast_in_dim3A_113 : f32 to vector<16xf32>
    %swap3A_115 = arith.constant 176 : index
    %swap3A_116 = tpu.vector_load %arg6[%swap3A_115] {strides = array<i32>} : memref<640xf32, #tpu.memory_space<vmem>>, vector<16xf32>,
    %swap3A_117 = vector.shape_cast %swap3A_116 : vector<16xf32> to vector<16xf32>
    %swap3A_118 = vector.shape_cast %broadcast_in_dim3A_114 : vector<16xf32> to vector<16xf32>
    tpu.vector_store %arg6[%swap3A_115], %swap3A_118 {strides = array<i32>} : memref<640xf32, #tpu.memory_space<vmem>>, vector<16xf32>,
    %broadcast_in_dim3A_119 = arith.constant 0.000000e+00 : f32
    %broadcast_in_dim3A_120 = vector.broadcast %broadcast_in_dim3A_119 : f32 to vector<16xf32>
    %swap3A_121 = arith.constant 192 : index
    %swap3A_122 = tpu.vector_load %arg6[%swap3A_121] {strides = array<i32>} : memref<640xf32, #tpu.memory_space<vmem>>, vector<16xf32>,
    %swap3A_123 = vector.shape_cast %swap3A_122 : vector<16xf32> to vector<16xf32>
    %swap3A_124 = vector.shape_cast %broadcast_in_dim3A_120 : vector<16xf32> to vector<16xf32>
    tpu.vector_store %arg6[%swap3A_121], %swap3A_124 {strides = array<i32>} : memref<640xf32, #tpu.memory_space<vmem>>, vector<16xf32>,
    %broadcast_in_dim3A_125 = arith.constant 0.000000e+00 : f32
    %broadcast_in_dim3A_126 = vector.broadcast %broadcast_in_dim3A_125 : f32 to vector<16xf32>
    %swap3A_127 = arith.constant 208 : index
    %swap3A_128 = tpu.vector_load %arg6[%swap3A_127] {strides = array<i32>} : memref<640xf32, #tpu.memory_space<vmem>>, vector<16xf32>,
    %swap3A_129 = vector.shape_cast %swap3A_128 : vector<16xf32> to vector<16xf32>
    %swap3A_130 = vector.shape_cast %broadcast_in_dim3A_126 : vector<16xf32> to vector<16xf32>
    tpu.vector_store %arg6[%swap3A_127], %swap3A_130 {strides = array<i32>} : memref<640xf32, #tpu.memory_space<vmem>>, vector<16xf32>,
    %broadcast_in_dim3A_131 = arith.constant 0.000000e+00 : f32
    %broadcast_in_dim3A_132 = vector.broadcast %broadcast_in_dim3A_131 : f32 to vector<16xf32>
    %swap3A_133 = arith.constant 224 : index
    %swap3A_134 = tpu.vector_load %arg6[%swap3A_133] {strides = array<i32>} : memref<640xf32, #tpu.memory_space<vmem>>, vector<16xf32>,
    %swap3A_135 = vector.shape_cast %swap3A_134 : vector<16xf32> to vector<16xf32>
    %swap3A_136 = vector.shape_cast %broadcast_in_dim3A_132 : vector<16xf32> to vector<16xf32>
    tpu.vector_store %arg6[%swap3A_133], %swap3A_136 {strides = array<i32>} : memref<640xf32, #tpu.memory_space<vmem>>, vector<16xf32>,
    %broadcast_in_dim3A_137 = arith.constant 0.000000e+00 : f32
    %broadcast_in_dim3A_138 = vector.broadcast %broadcast_in_dim3A_137 : f32 to vector<16xf32>
    %swap3A_139 = arith.constant 240 : index
    %swap3A_140 = tpu.vector_load %arg6[%swap3A_139] {strides = array<i32>} : memref<640xf32, #tpu.memory_space<vmem>>, vector<16xf32>,
    %swap3A_141 = vector.shape_cast %swap3A_140 : vector<16xf32> to vector<16xf32>
    %swap3A_142 = vector.shape_cast %broadcast_in_dim3A_138 : vector<16xf32> to vector<16xf32>
    tpu.vector_store %arg6[%swap3A_139], %swap3A_142 {strides = array<i32>} : memref<640xf32, #tpu.memory_space<vmem>>, vector<16xf32>,
    %broadcast_in_dim3A_143 = arith.constant 0.000000e+00 : f32
    %broadcast_in_dim3A_144 = vector.broadcast %broadcast_in_dim3A_143 : f32 to vector<16xf32>
    %swap3A_145 = arith.constant 256 : index
    %swap3A_146 = tpu.vector_load %arg6[%swap3A_145] {strides = array<i32>} : memref<640xf32, #tpu.memory_space<vmem>>, vector<16xf32>,
    %swap3A_147 = vector.shape_cast %swap3A_146 : vector<16xf32> to vector<16xf32>
    %swap3A_148 = vector.shape_cast %broadcast_in_dim3A_144 : vector<16xf32> to vector<16xf32>
    tpu.vector_store %arg6[%swap3A_145], %swap3A_148 {strides = array<i32>} : memref<640xf32, #tpu.memory_space<vmem>>, vector<16xf32>,
    %broadcast_in_dim3A_149 = arith.constant 0.000000e+00 : f32
    %broadcast_in_dim3A_150 = vector.broadcast %broadcast_in_dim3A_149 : f32 to vector<16xf32>
    %swap3A_151 = arith.constant 272 : index
    %swap3A_152 = tpu.vector_load %arg6[%swap3A_151] {strides = array<i32>} : memref<640xf32, #tpu.memory_space<vmem>>, vector<16xf32>,
    %swap3A_153 = vector.shape_cast %swap3A_152 : vector<16xf32> to vector<16xf32>
    %swap3A_154 = vector.shape_cast %broadcast_in_dim3A_150 : vector<16xf32> to vector<16xf32>
    tpu.vector_store %arg6[%swap3A_151], %swap3A_154 {strides = array<i32>} : memref<640xf32, #tpu.memory_space<vmem>>, vector<16xf32>,
    %broadcast_in_dim3A_155 = arith.constant 0.000000e+00 : f32
    %broadcast_in_dim3A_156 = vector.broadcast %broadcast_in_dim3A_155 : f32 to vector<16xf32>
    %swap3A_157 = arith.constant 288 : index
    %swap3A_158 = tpu.vector_load %arg6[%swap3A_157] {strides = array<i32>} : memref<640xf32, #tpu.memory_space<vmem>>, vector<16xf32>,
    %swap3A_159 = vector.shape_cast %swap3A_158 : vector<16xf32> to vector<16xf32>
    %swap3A_160 = vector.shape_cast %broadcast_in_dim3A_156 : vector<16xf32> to vector<16xf32>
    tpu.vector_store %arg6[%swap3A_157], %swap3A_160 {strides = array<i32>} : memref<640xf32, #tpu.memory_space<vmem>>, vector<16xf32>,
    %broadcast_in_dim3A_161 = arith.constant 0.000000e+00 : f32
    %broadcast_in_dim3A_162 = vector.broadcast %broadcast_in_dim3A_161 : f32 to vector<16xf32>
    %swap3A_163 = arith.constant 304 : index
    %swap3A_164 = tpu.vector_load %arg6[%swap3A_163] {strides = array<i32>} : memref<640xf32, #tpu.memory_space<vmem>>, vector<16xf32>,
    %swap3A_165 = vector.shape_cast %swap3A_164 : vector<16xf32> to vector<16xf32>
    %swap3A_166 = vector.shape_cast %broadcast_in_dim3A_162 : vector<16xf32> to vector<16xf32>
    tpu.vector_store %arg6[%swap3A_163], %swap3A_166 {strides = array<i32>} : memref<640xf32, #tpu.memory_space<vmem>>, vector<16xf32>,
    %broadcast_in_dim3A_167 = arith.constant 0.000000e+00 : f32
    %broadcast_in_dim3A_168 = vector.broadcast %broadcast_in_dim3A_167 : f32 to vector<16xf32>
    %swap3A_169 = arith.constant 320 : index
    %swap3A_170 = tpu.vector_load %arg6[%swap3A_169] {strides = array<i32>} : memref<640xf32, #tpu.memory_space<vmem>>, vector<16xf32>,
    %swap3A_171 = vector.shape_cast %swap3A_170 : vector<16xf32> to vector<16xf32>
    %swap3A_172 = vector.shape_cast %broadcast_in_dim3A_168 : vector<16xf32> to vector<16xf32>
    tpu.vector_store %arg6[%swap3A_169], %swap3A_172 {strides = array<i32>} : memref<640xf32, #tpu.memory_space<vmem>>, vector<16xf32>,
    %broadcast_in_dim3A_173 = arith.constant 0.000000e+00 : f32
    %broadcast_in_dim3A_174 = vector.broadcast %broadcast_in_dim3A_173 : f32 to vector<16xf32>
    %swap3A_175 = arith.constant 336 : index
    %swap3A_176 = tpu.vector_load %arg6[%swap3A_175] {strides = array<i32>} : memref<640xf32, #tpu.memory_space<vmem>>, vector<16xf32>,
    %swap3A_177 = vector.shape_cast %swap3A_176 : vector<16xf32> to vector<16xf32>
    %swap3A_178 = vector.shape_cast %broadcast_in_dim3A_174 : vector<16xf32> to vector<16xf32>
    tpu.vector_store %arg6[%swap3A_175], %swap3A_178 {strides = array<i32>} : memref<640xf32, #tpu.memory_space<vmem>>, vector<16xf32>,
    %broadcast_in_dim3A_179 = arith.constant 0.000000e+00 : f32
    %broadcast_in_dim3A_180 = vector.broadcast %broadcast_in_dim3A_179 : f32 to vector<16xf32>
    %swap3A_181 = arith.constant 352 : index
    %swap3A_182 = tpu.vector_load %arg6[%swap3A_181] {strides = array<i32>} : memref<640xf32, #tpu.memory_space<vmem>>, vector<16xf32>,
    %swap3A_183 = vector.shape_cast %swap3A_182 : vector<16xf32> to vector<16xf32>
    %swap3A_184 = vector.shape_cast %broadcast_in_dim3A_180 : vector<16xf32> to vector<16xf32>
    tpu.vector_store %arg6[%swap3A_181], %swap3A_184 {strides = array<i32>} : memref<640xf32, #tpu.memory_space<vmem>>, vector<16xf32>,
    %broadcast_in_dim3A_185 = arith.constant 0.000000e+00 : f32
    %broadcast_in_dim3A_186 = vector.broadcast %broadcast_in_dim3A_185 : f32 to vector<16xf32>
    %swap3A_187 = arith.constant 368 : index
    %swap3A_188 = tpu.vector_load %arg6[%swap3A_187] {strides = array<i32>} : memref<640xf32, #tpu.memory_space<vmem>>, vector<16xf32>,
    %swap3A_189 = vector.shape_cast %swap3A_188 : vector<16xf32> to vector<16xf32>
    %swap3A_190 = vector.shape_cast %broadcast_in_dim3A_186 : vector<16xf32> to vector<16xf32>
    tpu.vector_store %arg6[%swap3A_187], %swap3A_190 {strides = array<i32>} : memref<640xf32, #tpu.memory_space<vmem>>, vector<16xf32>,
    %broadcast_in_dim3A_191 = arith.constant 0.000000e+00 : f32
    %broadcast_in_dim3A_192 = vector.broadcast %broadcast_in_dim3A_191 : f32 to vector<16xf32>
    %swap3A_193 = arith.constant 384 : index
    %swap3A_194 = tpu.vector_load %arg6[%swap3A_193] {strides = array<i32>} : memref<640xf32, #tpu.memory_space<vmem>>, vector<16xf32>,
    %swap3A_195 = vector.shape_cast %swap3A_194 : vector<16xf32> to vector<16xf32>
    %swap3A_196 = vector.shape_cast %broadcast_in_dim3A_192 : vector<16xf32> to vector<16xf32>
    tpu.vector_store %arg6[%swap3A_193], %swap3A_196 {strides = array<i32>} : memref<640xf32, #tpu.memory_space<vmem>>, vector<16xf32>,
    %broadcast_in_dim3A_197 = arith.constant 0.000000e+00 : f32
    %broadcast_in_dim3A_198 = vector.broadcast %broadcast_in_dim3A_197 : f32 to vector<16xf32>
    %swap3A_199 = arith.constant 400 : index
    %swap3A_200 = tpu.vector_load %arg6[%swap3A_199] {strides = array<i32>} : memref<640xf32, #tpu.memory_space<vmem>>, vector<16xf32>,
    %swap3A_201 = vector.shape_cast %swap3A_200 : vector<16xf32> to vector<16xf32>
    %swap3A_202 = vector.shape_cast %broadcast_in_dim3A_198 : vector<16xf32> to vector<16xf32>
    tpu.vector_store %arg6[%swap3A_199], %swap3A_202 {strides = array<i32>} : memref<640xf32, #tpu.memory_space<vmem>>, vector<16xf32>,
    %broadcast_in_dim3A_203 = arith.constant 0.000000e+00 : f32
    %broadcast_in_dim3A_204 = vector.broadcast %broadcast_in_dim3A_203 : f32 to vector<16xf32>
    %swap3A_205 = arith.constant 416 : index
    %swap3A_206 = tpu.vector_load %arg6[%swap3A_205] {strides = array<i32>} : memref<640xf32, #tpu.memory_space<vmem>>, vector<16xf32>,
    %swap3A_207 = vector.shape_cast %swap3A_206 : vector<16xf32> to vector<16xf32>
    %swap3A_208 = vector.shape_cast %broadcast_in_dim3A_204 : vector<16xf32> to vector<16xf32>
    tpu.vector_store %arg6[%swap3A_205], %swap3A_208 {strides = array<i32>} : memref<640xf32, #tpu.memory_space<vmem>>, vector<16xf32>,
    %broadcast_in_dim3A_209 = arith.constant 0.000000e+00 : f32
    %broadcast_in_dim3A_210 = vector.broadcast %broadcast_in_dim3A_209 : f32 to vector<16xf32>
    %swap3A_211 = arith.constant 432 : index
    %swap3A_212 = tpu.vector_load %arg6[%swap3A_211] {strides = array<i32>} : memref<640xf32, #tpu.memory_space<vmem>>, vector<16xf32>,
    %swap3A_213 = vector.shape_cast %swap3A_212 : vector<16xf32> to vector<16xf32>
    %swap3A_214 = vector.shape_cast %broadcast_in_dim3A_210 : vector<16xf32> to vector<16xf32>
    tpu.vector_store %arg6[%swap3A_211], %swap3A_214 {strides = array<i32>} : memref<640xf32, #tpu.memory_space<vmem>>, vector<16xf32>,
    %broadcast_in_dim3A_215 = arith.constant 0.000000e+00 : f32
    %broadcast_in_dim3A_216 = vector.broadcast %broadcast_in_dim3A_215 : f32 to vector<16xf32>
    %swap3A_217 = arith.constant 448 : index
    %swap3A_218 = tpu.vector_load %arg6[%swap3A_217] {strides = array<i32>} : memref<640xf32, #tpu.memory_space<vmem>>, vector<16xf32>,
    %swap3A_219 = vector.shape_cast %swap3A_218 : vector<16xf32> to vector<16xf32>
    %swap3A_220 = vector.shape_cast %broadcast_in_dim3A_216 : vector<16xf32> to vector<16xf32>
    tpu.vector_store %arg6[%swap3A_217], %swap3A_220 {strides = array<i32>} : memref<640xf32, #tpu.memory_space<vmem>>, vector<16xf32>,
    %broadcast_in_dim3A_221 = arith.constant 0.000000e+00 : f32
    %broadcast_in_dim3A_222 = vector.broadcast %broadcast_in_dim3A_221 : f32 to vector<16xf32>
    %swap3A_223 = arith.constant 464 : index
    %swap3A_224 = tpu.vector_load %arg6[%swap3A_223] {strides = array<i32>} : memref<640xf32, #tpu.memory_space<vmem>>, vector<16xf32>,
    %swap3A_225 = vector.shape_cast %swap3A_224 : vector<16xf32> to vector<16xf32>
    %swap3A_226 = vector.shape_cast %broadcast_in_dim3A_222 : vector<16xf32> to vector<16xf32>
    tpu.vector_store %arg6[%swap3A_223], %swap3A_226 {strides = array<i32>} : memref<640xf32, #tpu.memory_space<vmem>>, vector<16xf32>,
    %broadcast_in_dim3A_227 = arith.constant 0.000000e+00 : f32
    %broadcast_in_dim3A_228 = vector.broadcast %broadcast_in_dim3A_227 : f32 to vector<16xf32>
    %swap3A_229 = arith.constant 480 : index
    %swap3A_230 = tpu.vector_load %arg6[%swap3A_229] {strides = array<i32>} : memref<640xf32, #tpu.memory_space<vmem>>, vector<16xf32>,
    %swap3A_231 = vector.shape_cast %swap3A_230 : vector<16xf32> to vector<16xf32>
    %swap3A_232 = vector.shape_cast %broadcast_in_dim3A_228 : vector<16xf32> to vector<16xf32>
    tpu.vector_store %arg6[%swap3A_229], %swap3A_232 {strides = array<i32>} : memref<640xf32, #tpu.memory_space<vmem>>, vector<16xf32>,
    %broadcast_in_dim3A_233 = arith.constant 0.000000e+00 : f32
    %broadcast_in_dim3A_234 = vector.broadcast %broadcast_in_dim3A_233 : f32 to vector<16xf32>
    %swap3A_235 = arith.constant 496 : index
    %swap3A_236 = tpu.vector_load %arg6[%swap3A_235] {strides = array<i32>} : memref<640xf32, #tpu.memory_space<vmem>>, vector<16xf32>,
    %swap3A_237 = vector.shape_cast %swap3A_236 : vector<16xf32> to vector<16xf32>
    %swap3A_238 = vector.shape_cast %broadcast_in_dim3A_234 : vector<16xf32> to vector<16xf32>
    tpu.vector_store %arg6[%swap3A_235], %swap3A_238 {strides = array<i32>} : memref<640xf32, #tpu.memory_space<vmem>>, vector<16xf32>,
    %broadcast_in_dim3A_239 = arith.constant 0.000000e+00 : f32
    %broadcast_in_dim3A_240 = vector.broadcast %broadcast_in_dim3A_239 : f32 to vector<16xf32>
    %swap3A_241 = arith.constant 512 : index
    %swap3A_242 = tpu.vector_load %arg6[%swap3A_241] {strides = array<i32>} : memref<640xf32, #tpu.memory_space<vmem>>, vector<16xf32>,
    %swap3A_243 = vector.shape_cast %swap3A_242 : vector<16xf32> to vector<16xf32>
    %swap3A_244 = vector.shape_cast %broadcast_in_dim3A_240 : vector<16xf32> to vector<16xf32>
    tpu.vector_store %arg6[%swap3A_241], %swap3A_244 {strides = array<i32>} : memref<640xf32, #tpu.memory_space<vmem>>, vector<16xf32>,
    %broadcast_in_dim3A_245 = arith.constant 0.000000e+00 : f32
    %broadcast_in_dim3A_246 = vector.broadcast %broadcast_in_dim3A_245 : f32 to vector<16xf32>
    %swap3A_247 = arith.constant 528 : index
    %swap3A_248 = tpu.vector_load %arg6[%swap3A_247] {strides = array<i32>} : memref<640xf32, #tpu.memory_space<vmem>>, vector<16xf32>,
    %swap3A_249 = vector.shape_cast %swap3A_248 : vector<16xf32> to vector<16xf32>
    %swap3A_250 = vector.shape_cast %broadcast_in_dim3A_246 : vector<16xf32> to vector<16xf32>
    tpu.vector_store %arg6[%swap3A_247], %swap3A_250 {strides = array<i32>} : memref<640xf32, #tpu.memory_space<vmem>>, vector<16xf32>,
    %broadcast_in_dim3A_251 = arith.constant 0.000000e+00 : f32
    %broadcast_in_dim3A_252 = vector.broadcast %broadcast_in_dim3A_251 : f32 to vector<16xf32>
    %swap3A_253 = arith.constant 544 : index
    %swap3A_254 = tpu.vector_load %arg6[%swap3A_253] {strides = array<i32>} : memref<640xf32, #tpu.memory_space<vmem>>, vector<16xf32>,
    %swap3A_255 = vector.shape_cast %swap3A_254 : vector<16xf32> to vector<16xf32>
    %swap3A_256 = vector.shape_cast %broadcast_in_dim3A_252 : vector<16xf32> to vector<16xf32>
    tpu.vector_store %arg6[%swap3A_253], %swap3A_256 {strides = array<i32>} : memref<640xf32, #tpu.memory_space<vmem>>, vector<16xf32>,
    %broadcast_in_dim3A_257 = arith.constant 0.000000e+00 : f32
    %broadcast_in_dim3A_258 = vector.broadcast %broadcast_in_dim3A_257 : f32 to vector<16xf32>
    %swap3A_259 = arith.constant 560 : index
    %swap3A_260 = tpu.vector_load %arg6[%swap3A_259] {strides = array<i32>} : memref<640xf32, #tpu.memory_space<vmem>>, vector<16xf32>,
    %swap3A_261 = vector.shape_cast %swap3A_260 : vector<16xf32> to vector<16xf32>
    %swap3A_262 = vector.shape_cast %broadcast_in_dim3A_258 : vector<16xf32> to vector<16xf32>
    tpu.vector_store %arg6[%swap3A_259], %swap3A_262 {strides = array<i32>} : memref<640xf32, #tpu.memory_space<vmem>>, vector<16xf32>,
    %broadcast_in_dim3A_263 = arith.constant 0.000000e+00 : f32
    %broadcast_in_dim3A_264 = vector.broadcast %broadcast_in_dim3A_263 : f32 to vector<16xf32>
    %swap3A_265 = arith.constant 576 : index
    %swap3A_266 = tpu.vector_load %arg6[%swap3A_265] {strides = array<i32>} : memref<640xf32, #tpu.memory_space<vmem>>, vector<16xf32>,
    %swap3A_267 = vector.shape_cast %swap3A_266 : vector<16xf32> to vector<16xf32>
    %swap3A_268 = vector.shape_cast %broadcast_in_dim3A_264 : vector<16xf32> to vector<16xf32>
    tpu.vector_store %arg6[%swap3A_265], %swap3A_268 {strides = array<i32>} : memref<640xf32, #tpu.memory_space<vmem>>, vector<16xf32>,
    %broadcast_in_dim3A_269 = arith.constant 0.000000e+00 : f32
    %broadcast_in_dim3A_270 = vector.broadcast %broadcast_in_dim3A_269 : f32 to vector<16xf32>
    %swap3A_271 = arith.constant 592 : index
    %swap3A_272 = tpu.vector_load %arg6[%swap3A_271] {strides = array<i32>} : memref<640xf32, #tpu.memory_space<vmem>>, vector<16xf32>,
    %swap3A_273 = vector.shape_cast %swap3A_272 : vector<16xf32> to vector<16xf32>
    %swap3A_274 = vector.shape_cast %broadcast_in_dim3A_270 : vector<16xf32> to vector<16xf32>
    tpu.vector_store %arg6[%swap3A_271], %swap3A_274 {strides = array<i32>} : memref<640xf32, #tpu.memory_space<vmem>>, vector<16xf32>,
    %broadcast_in_dim3A_275 = arith.constant 0.000000e+00 : f32
    %broadcast_in_dim3A_276 = vector.broadcast %broadcast_in_dim3A_275 : f32 to vector<16xf32>
    %swap3A_277 = arith.constant 608 : index
    %swap3A_278 = tpu.vector_load %arg6[%swap3A_277] {strides = array<i32>} : memref<640xf32, #tpu.memory_space<vmem>>, vector<16xf32>,
    %swap3A_279 = vector.shape_cast %swap3A_278 : vector<16xf32> to vector<16xf32>
    %swap3A_280 = vector.shape_cast %broadcast_in_dim3A_276 : vector<16xf32> to vector<16xf32>
    tpu.vector_store %arg6[%swap3A_277], %swap3A_280 {strides = array<i32>} : memref<640xf32, #tpu.memory_space<vmem>>, vector<16xf32>,
    %broadcast_in_dim3A_281 = arith.constant 0.000000e+00 : f32
    %broadcast_in_dim3A_282 = vector.broadcast %broadcast_in_dim3A_281 : f32 to vector<16xf32>
    %swap3A_283 = arith.constant 624 : index
    %swap3A_284 = tpu.vector_load %arg6[%swap3A_283] {strides = array<i32>} : memref<640xf32, #tpu.memory_space<vmem>>, vector<16xf32>,
    %swap3A_285 = vector.shape_cast %swap3A_284 : vector<16xf32> to vector<16xf32>
    %swap3A_286 = vector.shape_cast %broadcast_in_dim3A_282 : vector<16xf32> to vector<16xf32>
    tpu.vector_store %arg6[%swap3A_283], %swap3A_286 {strides = array<i32>} : memref<640xf32, #tpu.memory_space<vmem>>, vector<16xf32>,
    %mul3A_287 = arith.constant 640 : i32
    %mul3A_288 = arith.muli %arg1, %mul3A_287 : i32
    "tpu.region"() ({
      %run_scoped3A = tpu.sem_alloc : memref<!tpu.dma_semaphore, #tpu.memory_space<semaphore_mem>>
      %dma_start3A = tpu.memref_slice %arg7[%mul3A_288] : memref<10240xf32, #tpu.memory_space<vmem_shared>> -> memref<640xf32, #tpu.memory_space<vmem_shared>>
      %dma_start3A_308 = tpu.memref_slice %arg7[%mul3A_288] : memref<10240xf32, #tpu.memory_space<vmem_shared>> -> memref<640xf32, #tpu.memory_space<vmem_shared>>
      tpu.enqueue_dma source(%arg6 : memref<640xf32, #tpu.memory_space<vmem>>) target(%dma_start3A_308 : memref<640xf32, #tpu.memory_space<vmem_shared>>) target_semaphore(%run_scoped3A : memref<!tpu.dma_semaphore, #tpu.memory_space<semaphore_mem>>)
      %dma_wait3A = tpu.memref_slice %arg7[%mul3A_288] : memref<10240xf32, #tpu.memory_space<vmem_shared>> -> memref<640xf32, #tpu.memory_space<vmem_shared>>
      %dma_wait3A_309 = tpu.memref_slice %arg7[%mul3A_288] : memref<10240xf32, #tpu.memory_space<vmem_shared>> -> memref<640xf32, #tpu.memory_space<vmem_shared>>
      tpu.wait_dma2 semaphore(%run_scoped3A : memref<!tpu.dma_semaphore, #tpu.memory_space<semaphore_mem>>) src(%arg6 : memref<640xf32, #tpu.memory_space<vmem>>) dst(%dma_wait3A_309 : memref<640xf32, #tpu.memory_space<vmem_shared>>)
      tpu.yield
    }) : () -> ()
    %barrier3A = arith.constant 0 : index
    tpu.barrier barrier_id(%barrier3A)
    %scan3A = arith.constant 0 : i32
    %scan3A_289 = arith.constant 0 : i32
    %scan3A_290 = arith.constant 80 : i32
    %scan3A_291 = arith.addi %scan3A_289, %scan3A_290 : i32
    %scan3A_292 = arith.constant 1 : i32
    scf.for %scan3A_308 = %scan3A_289 to %scan3A_291 step %scan3A_292  : i32 {
      %dma_start3A = arith.constant 0 : i32
      %dma_start3A_309 = tpu.memref_slice %arg4[%scan3A_308, %dma_start3A] : memref<80x128xi32, #tpu.memory_space<vmem>> -> memref<1x128xi32, #tpu.memory_space<vmem>>
      %dma_start3A_310 = tpu.memref_squeeze %dma_start3A_309 : memref<1x128xi32, #tpu.memory_space<vmem>> -> memref<128xi32, #tpu.memory_space<vmem>>
      %dma_start3A_311 = arith.constant 0 : i32
      %dma_start3A_312 = tpu.memref_slice %arg7[%dma_start3A_311] : memref<10240xf32, #tpu.memory_space<vmem_shared>> -> memref<10240xf32, #tpu.memory_space<vmem_shared>>
      tpu.enqueue_indirect_dma source(%arg5 : memref<128xf32, #tpu.memory_space<vmem>>) target(%dma_start3A_312 : memref<10240xf32, #tpu.memory_space<vmem_shared>>) offsets(%dma_start3A_310 : memref<128xi32, #tpu.memory_space<vmem>>) semaphore(%arg8 : memref<!tpu.dma_semaphore, #tpu.memory_space<semaphore_mem>>) {add = true}
    }
    %scan3A_293 = arith.constant 80 : i32
    %scan3A_294 = arith.constant 0 : i32
    %scan3A_295 = arith.constant 0 : i32
    %scan3A_296 = arith.constant 80 : i32
    %scan3A_297 = arith.addi %scan3A_295, %scan3A_296 : i32
    %scan3A_298 = arith.constant 1 : i32
    scf.for %scan3A_308 = %scan3A_295 to %scan3A_297 step %scan3A_298  : i32 {
      %dma_wait3A = arith.constant 0 : i32
      %dma_wait3A_309 = tpu.memref_slice %arg4[%scan3A_308, %dma_wait3A] : memref<80x128xi32, #tpu.memory_space<vmem>> -> memref<1x128xi32, #tpu.memory_space<vmem>>
      %dma_wait3A_310 = tpu.memref_squeeze %dma_wait3A_309 : memref<1x128xi32, #tpu.memory_space<vmem>> -> memref<128xi32, #tpu.memory_space<vmem>>
      %dma_wait3A_311 = arith.constant 0 : i32
      %dma_wait3A_312 = tpu.memref_slice %arg7[%dma_wait3A_311] : memref<10240xf32, #tpu.memory_space<vmem_shared>> -> memref<10240xf32, #tpu.memory_space<vmem_shared>>
      tpu.wait_indirect_dma semaphore(%arg8 : memref<!tpu.dma_semaphore, #tpu.memory_space<semaphore_mem>>) src(%arg5 : memref<128xf32, #tpu.memory_space<vmem>>) dst(%dma_wait3A_312 : memref<10240xf32, #tpu.memory_space<vmem_shared>>)
    }
    %scan3A_299 = arith.constant 80 : i32
    %barrier3A_300 = arith.constant 0 : index
    tpu.barrier barrier_id(%barrier3A_300)
    %mul3A_301 = arith.constant 640 : i32
    %mul3A_302 = arith.muli %arg1, %mul3A_301 : i32
    %mul3A_303 = arith.constant 10240 : i32
    %mul3A_304 = arith.muli %arg0, %mul3A_303 : i32
    %mul3A_305 = arith.constant 640 : i32
    %mul3A_306 = arith.muli %arg1, %mul3A_305 : i32
    %add3A_307 = arith.addi %mul3A_304, %mul3A_306 : i32
    "tpu.region"() ({
      %run_scoped3A = tpu.sem_alloc : memref<!tpu.dma_semaphore, #tpu.memory_space<semaphore_mem>>
      %dma_start3A = tpu.memref_slice %arg3[%add3A_307] : memref<20480xf32, #tpu.memory_space<hbm>> -> memref<640xf32, #tpu.memory_space<hbm>>
      %dma_start3A_308 = tpu.memref_slice %arg7[%mul3A_302] : memref<10240xf32, #tpu.memory_space<vmem_shared>> -> memref<640xf32, #tpu.memory_space<vmem_shared>>
      tpu.enqueue_dma source(%dma_start3A_308 : memref<640xf32, #tpu.memory_space<vmem_shared>>) target(%dma_start3A : memref<640xf32, #tpu.memory_space<hbm>>) target_semaphore(%run_scoped3A : memref<!tpu.dma_semaphore, #tpu.memory_space<semaphore_mem>>)
      %dma_wait3A = tpu.memref_slice %arg3[%add3A_307] : memref<20480xf32, #tpu.memory_space<hbm>> -> memref<640xf32, #tpu.memory_space<hbm>>
      %dma_wait3A_309 = tpu.memref_slice %arg7[%mul3A_302] : memref<10240xf32, #tpu.memory_space<vmem_shared>> -> memref<640xf32, #tpu.memory_space<vmem_shared>>
      tpu.wait_dma2 semaphore(%run_scoped3A : memref<!tpu.dma_semaphore, #tpu.memory_space<semaphore_mem>>) src(%dma_wait3A_309 : memref<640xf32, #tpu.memory_space<vmem_shared>>) dst(%dma_wait3A : memref<640xf32, #tpu.memory_space<hbm>>)
      tpu.yield
    }) : () -> ()
    return
  }
}

#map = affine_map<(d0, d1) -> (0)>
#map1 = affine_map<(d0, d1) -> (0, 0)>
#map2 = affine_map<(d0, d1) -> (0, 0, 0)>
module attributes {stable_mosaic.version = 14 : i64} {
  func.func @_agg_body(%arg0: i32, %arg1: i32, %arg2: memref<327680xi32, #tpu.memory_space<hbm>>, %arg3: memref<327680xi32, #tpu.memory_space<hbm>>, %arg4: memref<10000x128xf32, #tpu.memory_space<hbm>>, %arg5: memref<2x10000x128xf32, #tpu.memory_space<hbm>>, %arg6: memref<128xi32, #tpu.memory_space<vmem>>, %arg7: memref<128xi32, #tpu.memory_space<vmem>>, %arg8: memref<128xi32, #tpu.memory_space<vmem>>, %arg9: memref<128xi32, #tpu.memory_space<vmem>>, %arg10: memref<128x128xf32, #tpu.memory_space<vmem>>, %arg11: memref<128x128xf32, #tpu.memory_space<vmem>>, %arg12: memref<10016x128xf32, #tpu.memory_space<vmem_shared>>, %arg13: memref<!tpu.dma_semaphore, #tpu.memory_space<semaphore_mem>>, %arg14: memref<!tpu.dma_semaphore, #tpu.memory_space<semaphore_mem>>, %arg15: memref<!tpu.dma_semaphore, #tpu.memory_space<semaphore_mem>>, %arg16: memref<!tpu.dma_semaphore, #tpu.memory_space<semaphore_mem>>) attributes {dimension_semantics = [#tpu.dimension_semantics<core_parallel>, #tpu.dimension_semantics<subcore_parallel>], iteration_bounds = array<i64: 2, 16>, scalar_prefetch = 0 : i64, scratch_operands = 11 : i64, tpu.core_type = #tpu.core_type<sc_vector_subcore>, window_params = [{transform_indices = #map}, {transform_indices = #map}, {transform_indices = #map1}, {transform_indices = #map2}]} {
    %mul3A = arith.constant 2 : i32
    %mul3A_0 = arith.muli %arg1, %mul3A : i32
    %add3A = arith.addi %mul3A_0, %arg0 : i32
    %mul3A_1 = arith.constant 10240 : i32
    %mul3A_2 = arith.muli %add3A, %mul3A_1 : i32
    %mul3A_3 = arith.constant 624 : i32
    %mul3A_4 = arith.muli %arg1, %mul3A_3 : i32
    %mul3A_5 = arith.constant 624 : i32
    %mul3A_6 = arith.muli %arg1, %mul3A_5 : i32
    "tpu.region"() ({
      %run_scoped3A = tpu.sem_alloc : memref<!tpu.dma_semaphore, #tpu.memory_space<semaphore_mem>>
      %dma_start3A_55 = arith.constant 0 : i32
      %dma_start3A_56 = tpu.memref_slice %arg12[%mul3A_6, %dma_start3A_55] : memref<10016x128xf32, #tpu.memory_space<vmem_shared>> -> memref<624x128xf32, #tpu.memory_space<vmem_shared>>
      %dma_start3A_57 = arith.constant 0 : i32
      %dma_start3A_58 = tpu.memref_slice %arg4[%mul3A_4, %dma_start3A_57] : memref<10000x128xf32, #tpu.memory_space<hbm>> -> memref<624x128xf32, #tpu.memory_space<hbm>>
      tpu.enqueue_dma source(%dma_start3A_58 : memref<624x128xf32, #tpu.memory_space<hbm>>) target(%dma_start3A_56 : memref<624x128xf32, #tpu.memory_space<vmem_shared>>) target_semaphore(%run_scoped3A : memref<!tpu.dma_semaphore, #tpu.memory_space<semaphore_mem>>)
      %dma_wait3A_59 = arith.constant 0 : i32
      %dma_wait3A_60 = tpu.memref_slice %arg12[%mul3A_6, %dma_wait3A_59] : memref<10016x128xf32, #tpu.memory_space<vmem_shared>> -> memref<624x128xf32, #tpu.memory_space<vmem_shared>>
      %dma_wait3A_61 = arith.constant 0 : i32
      %dma_wait3A_62 = tpu.memref_slice %arg4[%mul3A_4, %dma_wait3A_61] : memref<10000x128xf32, #tpu.memory_space<hbm>> -> memref<624x128xf32, #tpu.memory_space<hbm>>
      tpu.wait_dma2 semaphore(%run_scoped3A : memref<!tpu.dma_semaphore, #tpu.memory_space<semaphore_mem>>) src(%dma_wait3A_62 : memref<624x128xf32, #tpu.memory_space<hbm>>) dst(%dma_wait3A_60 : memref<624x128xf32, #tpu.memory_space<vmem_shared>>)
      tpu.yield
    }) : () -> ()
    %eq3A = arith.constant 0 : i32
    %eq3A_7 = arith.cmpi eq, %arg1, %eq3A : i32
    %convert_element_type3A = arith.extui %eq3A_7 : i1 to i32
    %cond3A = arith.constant 0 : i32
    %cond3A_8 = arith.cmpi ne, %convert_element_type3A, %cond3A : i32
    scf.if %cond3A_8 {
      "tpu.region"() ({
        %run_scoped3A = tpu.sem_alloc : memref<!tpu.dma_semaphore, #tpu.memory_space<semaphore_mem>>
        %dma_start3A_55 = arith.constant 9984 : i32
        %dma_start3A_56 = arith.constant 0 : i32
        %dma_start3A_57 = tpu.memref_slice %arg12[%dma_start3A_55, %dma_start3A_56] : memref<10016x128xf32, #tpu.memory_space<vmem_shared>> -> memref<16x128xf32, #tpu.memory_space<vmem_shared>>
        %dma_start3A_58 = arith.constant 9984 : i32
        %dma_start3A_59 = arith.constant 0 : i32
        %dma_start3A_60 = tpu.memref_slice %arg4[%dma_start3A_58, %dma_start3A_59] : memref<10000x128xf32, #tpu.memory_space<hbm>> -> memref<16x128xf32, #tpu.memory_space<hbm>>
        tpu.enqueue_dma source(%dma_start3A_60 : memref<16x128xf32, #tpu.memory_space<hbm>>) target(%dma_start3A_57 : memref<16x128xf32, #tpu.memory_space<vmem_shared>>) target_semaphore(%run_scoped3A : memref<!tpu.dma_semaphore, #tpu.memory_space<semaphore_mem>>)
        %dma_wait3A_61 = arith.constant 9984 : i32
        %dma_wait3A_62 = arith.constant 0 : i32
        %dma_wait3A_63 = tpu.memref_slice %arg12[%dma_wait3A_61, %dma_wait3A_62] : memref<10016x128xf32, #tpu.memory_space<vmem_shared>> -> memref<16x128xf32, #tpu.memory_space<vmem_shared>>
        %dma_wait3A_64 = arith.constant 9984 : i32
        %dma_wait3A_65 = arith.constant 0 : i32
        %dma_wait3A_66 = tpu.memref_slice %arg4[%dma_wait3A_64, %dma_wait3A_65] : memref<10000x128xf32, #tpu.memory_space<hbm>> -> memref<16x128xf32, #tpu.memory_space<hbm>>
        tpu.wait_dma2 semaphore(%run_scoped3A : memref<!tpu.dma_semaphore, #tpu.memory_space<semaphore_mem>>) src(%dma_wait3A_66 : memref<16x128xf32, #tpu.memory_space<hbm>>) dst(%dma_wait3A_63 : memref<16x128xf32, #tpu.memory_space<vmem_shared>>)
        tpu.yield
      }) : () -> ()
    } else {
    }
    %barrier3A = arith.constant 0 : index
    tpu.barrier barrier_id(%barrier3A)
    %add3A_9 = arith.constant 0 : i32
    %add3A_10 = arith.addi %mul3A_2, %add3A_9 : i32
    %multiple_of3A = tpu.assume_multiple %add3A_10, 128 : i32
    %dma_start3A = tpu.memref_slice %arg2[%multiple_of3A] : memref<327680xi32, #tpu.memory_space<hbm>> -> memref<128xi32, #tpu.memory_space<hbm>>
    %dma_start3A_11 = tpu.memref_slice %arg2[%multiple_of3A] : memref<327680xi32, #tpu.memory_space<hbm>> -> memref<128xi32, #tpu.memory_space<hbm>>
    tpu.enqueue_dma source(%dma_start3A_11 : memref<128xi32, #tpu.memory_space<hbm>>) target(%arg6 : memref<128xi32, #tpu.memory_space<vmem>>) target_semaphore(%arg13 : memref<!tpu.dma_semaphore, #tpu.memory_space<semaphore_mem>>)
    %dma_start3A_12 = tpu.memref_slice %arg3[%multiple_of3A] : memref<327680xi32, #tpu.memory_space<hbm>> -> memref<128xi32, #tpu.memory_space<hbm>>
    %dma_start3A_13 = tpu.memref_slice %arg3[%multiple_of3A] : memref<327680xi32, #tpu.memory_space<hbm>> -> memref<128xi32, #tpu.memory_space<hbm>>
    tpu.enqueue_dma source(%dma_start3A_13 : memref<128xi32, #tpu.memory_space<hbm>>) target(%arg8 : memref<128xi32, #tpu.memory_space<vmem>>) target_semaphore(%arg13 : memref<!tpu.dma_semaphore, #tpu.memory_space<semaphore_mem>>)
    %add3A_14 = arith.constant 0 : i32
    %add3A_15 = arith.addi %mul3A_2, %add3A_14 : i32
    %multiple_of3A_16 = tpu.assume_multiple %add3A_15, 128 : i32
    %dma_wait3A = tpu.memref_slice %arg2[%multiple_of3A_16] : memref<327680xi32, #tpu.memory_space<hbm>> -> memref<128xi32, #tpu.memory_space<hbm>>
    %dma_wait3A_17 = tpu.memref_slice %arg2[%multiple_of3A_16] : memref<327680xi32, #tpu.memory_space<hbm>> -> memref<128xi32, #tpu.memory_space<hbm>>
    tpu.wait_dma2 semaphore(%arg13 : memref<!tpu.dma_semaphore, #tpu.memory_space<semaphore_mem>>) src(%dma_wait3A_17 : memref<128xi32, #tpu.memory_space<hbm>>) dst(%arg6 : memref<128xi32, #tpu.memory_space<vmem>>)
    %dma_wait3A_18 = tpu.memref_slice %arg3[%multiple_of3A_16] : memref<327680xi32, #tpu.memory_space<hbm>> -> memref<128xi32, #tpu.memory_space<hbm>>
    %dma_wait3A_19 = tpu.memref_slice %arg3[%multiple_of3A_16] : memref<327680xi32, #tpu.memory_space<hbm>> -> memref<128xi32, #tpu.memory_space<hbm>>
    tpu.wait_dma2 semaphore(%arg13 : memref<!tpu.dma_semaphore, #tpu.memory_space<semaphore_mem>>) src(%dma_wait3A_19 : memref<128xi32, #tpu.memory_space<hbm>>) dst(%arg8 : memref<128xi32, #tpu.memory_space<vmem>>)
    %dma_start3A_20 = arith.constant 0 : i32
    %dma_start3A_21 = arith.constant 0 : i32
    %dma_start3A_22 = tpu.memref_slice %arg4[%dma_start3A_20, %dma_start3A_21] : memref<10000x128xf32, #tpu.memory_space<hbm>> -> memref<10000x128xf32, #tpu.memory_space<hbm>>
    tpu.enqueue_indirect_dma source(%dma_start3A_22 : memref<10000x128xf32, #tpu.memory_space<hbm>>) target(%arg10 : memref<128x128xf32, #tpu.memory_space<vmem>>) offsets(%arg6 : memref<128xi32, #tpu.memory_space<vmem>>) semaphore(%arg15 : memref<!tpu.dma_semaphore, #tpu.memory_space<semaphore_mem>>)
    %add3A_23 = arith.constant 128 : i32
    %add3A_24 = arith.addi %mul3A_2, %add3A_23 : i32
    %multiple_of3A_25 = tpu.assume_multiple %add3A_24, 128 : i32
    %dma_start3A_26 = tpu.memref_slice %arg2[%multiple_of3A_25] : memref<327680xi32, #tpu.memory_space<hbm>> -> memref<128xi32, #tpu.memory_space<hbm>>
    %dma_start3A_27 = tpu.memref_slice %arg2[%multiple_of3A_25] : memref<327680xi32, #tpu.memory_space<hbm>> -> memref<128xi32, #tpu.memory_space<hbm>>
    tpu.enqueue_dma source(%dma_start3A_27 : memref<128xi32, #tpu.memory_space<hbm>>) target(%arg7 : memref<128xi32, #tpu.memory_space<vmem>>) target_semaphore(%arg14 : memref<!tpu.dma_semaphore, #tpu.memory_space<semaphore_mem>>)
    %dma_start3A_28 = tpu.memref_slice %arg3[%multiple_of3A_25] : memref<327680xi32, #tpu.memory_space<hbm>> -> memref<128xi32, #tpu.memory_space<hbm>>
    %dma_start3A_29 = tpu.memref_slice %arg3[%multiple_of3A_25] : memref<327680xi32, #tpu.memory_space<hbm>> -> memref<128xi32, #tpu.memory_space<hbm>>
    tpu.enqueue_dma source(%dma_start3A_29 : memref<128xi32, #tpu.memory_space<hbm>>) target(%arg9 : memref<128xi32, #tpu.memory_space<vmem>>) target_semaphore(%arg14 : memref<!tpu.dma_semaphore, #tpu.memory_space<semaphore_mem>>)
    %add3A_30 = arith.constant 128 : i32
    %add3A_31 = arith.addi %mul3A_2, %add3A_30 : i32
    %multiple_of3A_32 = tpu.assume_multiple %add3A_31, 128 : i32
    %dma_wait3A_33 = tpu.memref_slice %arg2[%multiple_of3A_32] : memref<327680xi32, #tpu.memory_space<hbm>> -> memref<128xi32, #tpu.memory_space<hbm>>
    %dma_wait3A_34 = tpu.memref_slice %arg2[%multiple_of3A_32] : memref<327680xi32, #tpu.memory_space<hbm>> -> memref<128xi32, #tpu.memory_space<hbm>>
    tpu.wait_dma2 semaphore(%arg14 : memref<!tpu.dma_semaphore, #tpu.memory_space<semaphore_mem>>) src(%dma_wait3A_34 : memref<128xi32, #tpu.memory_space<hbm>>) dst(%arg7 : memref<128xi32, #tpu.memory_space<vmem>>)
    %dma_wait3A_35 = tpu.memref_slice %arg3[%multiple_of3A_32] : memref<327680xi32, #tpu.memory_space<hbm>> -> memref<128xi32, #tpu.memory_space<hbm>>
    %dma_wait3A_36 = tpu.memref_slice %arg3[%multiple_of3A_32] : memref<327680xi32, #tpu.memory_space<hbm>> -> memref<128xi32, #tpu.memory_space<hbm>>
    tpu.wait_dma2 semaphore(%arg14 : memref<!tpu.dma_semaphore, #tpu.memory_space<semaphore_mem>>) src(%dma_wait3A_36 : memref<128xi32, #tpu.memory_space<hbm>>) dst(%arg9 : memref<128xi32, #tpu.memory_space<vmem>>)
    %dma_start3A_37 = arith.constant 0 : i32
    %dma_start3A_38 = arith.constant 0 : i32
    %dma_start3A_39 = tpu.memref_slice %arg4[%dma_start3A_37, %dma_start3A_38] : memref<10000x128xf32, #tpu.memory_space<hbm>> -> memref<10000x128xf32, #tpu.memory_space<hbm>>
    tpu.enqueue_indirect_dma source(%dma_start3A_39 : memref<10000x128xf32, #tpu.memory_space<hbm>>) target(%arg11 : memref<128x128xf32, #tpu.memory_space<vmem>>) offsets(%arg7 : memref<128xi32, #tpu.memory_space<vmem>>) semaphore(%arg16 : memref<!tpu.dma_semaphore, #tpu.memory_space<semaphore_mem>>)
    %scan3A = arith.constant 0 : i32
    %scan3A_40 = arith.constant 0 : i32
    %scan3A_41 = arith.constant 40 : i32
    %scan3A_42 = arith.addi %scan3A_40, %scan3A_41 : i32
    %scan3A_43 = arith.constant 1 : i32
    scf.for %scan3A_55 = %scan3A_40 to %scan3A_42 step %scan3A_43  : i32 {
      %mul3A_56 = arith.constant 2 : i32
      %mul3A_57 = arith.muli %mul3A_56, %scan3A_55 : i32
      %add3A_58 = arith.constant 0 : i32
      %add3A_59 = arith.addi %mul3A_57, %add3A_58 : i32
      %dma_wait3A_60 = arith.constant 0 : i32
      %dma_wait3A_61 = arith.constant 0 : i32
      %dma_wait3A_62 = tpu.memref_slice %arg4[%dma_wait3A_60, %dma_wait3A_61] : memref<10000x128xf32, #tpu.memory_space<hbm>> -> memref<10000x128xf32, #tpu.memory_space<hbm>>
      tpu.wait_indirect_dma semaphore(%arg15 : memref<!tpu.dma_semaphore, #tpu.memory_space<semaphore_mem>>) src(%dma_wait3A_62 : memref<10000x128xf32, #tpu.memory_space<hbm>>) dst(%arg10 : memref<128x128xf32, #tpu.memory_space<vmem>>)
      %add3A_63 = arith.constant 2 : i32
      %add3A_64 = arith.addi %add3A_59, %add3A_63 : i32
      %lt3A = arith.constant 80 : i32
      %lt3A_65 = arith.cmpi slt, %add3A_64, %lt3A : i32
      %convert_element_type3A_66 = arith.extui %lt3A_65 : i1 to i32
      %cond3A_67 = arith.constant 0 : i32
      %cond3A_68 = arith.cmpi ne, %convert_element_type3A_66, %cond3A_67 : i32
      scf.if %cond3A_68 {
        %add3A_97 = arith.constant 2 : i32
        %add3A_98 = arith.addi %add3A_59, %add3A_97 : i32
        %mul3A_99 = arith.constant 128 : i32
        %mul3A_100 = arith.muli %add3A_98, %mul3A_99 : i32
        %add3A_101 = arith.addi %mul3A_2, %mul3A_100 : i32
        %multiple_of3A_102 = tpu.assume_multiple %add3A_101, 128 : i32
        %dma_start3A_103 = tpu.memref_slice %arg2[%multiple_of3A_102] : memref<327680xi32, #tpu.memory_space<hbm>> -> memref<128xi32, #tpu.memory_space<hbm>>
        %dma_start3A_104 = tpu.memref_slice %arg2[%multiple_of3A_102] : memref<327680xi32, #tpu.memory_space<hbm>> -> memref<128xi32, #tpu.memory_space<hbm>>
        tpu.enqueue_dma source(%dma_start3A_104 : memref<128xi32, #tpu.memory_space<hbm>>) target(%arg6 : memref<128xi32, #tpu.memory_space<vmem>>) target_semaphore(%arg13 : memref<!tpu.dma_semaphore, #tpu.memory_space<semaphore_mem>>)
        %dma_start3A_105 = tpu.memref_slice %arg3[%multiple_of3A_102] : memref<327680xi32, #tpu.memory_space<hbm>> -> memref<128xi32, #tpu.memory_space<hbm>>
        %dma_start3A_106 = tpu.memref_slice %arg3[%multiple_of3A_102] : memref<327680xi32, #tpu.memory_space<hbm>> -> memref<128xi32, #tpu.memory_space<hbm>>
        tpu.enqueue_dma source(%dma_start3A_106 : memref<128xi32, #tpu.memory_space<hbm>>) target(%arg8 : memref<128xi32, #tpu.memory_space<vmem>>) target_semaphore(%arg13 : memref<!tpu.dma_semaphore, #tpu.memory_space<semaphore_mem>>)
      } else {
      }
      "tpu.region"() ({
        %run_scoped3A = tpu.sem_alloc : memref<!tpu.dma_semaphore, #tpu.memory_space<semaphore_mem>>
        %dma_start3A_97 = arith.constant 0 : i32
        %dma_start3A_98 = arith.constant 0 : i32
        %dma_start3A_99 = tpu.memref_slice %arg12[%dma_start3A_97, %dma_start3A_98] : memref<10016x128xf32, #tpu.memory_space<vmem_shared>> -> memref<10016x128xf32, #tpu.memory_space<vmem_shared>>
        tpu.enqueue_indirect_dma source(%arg10 : memref<128x128xf32, #tpu.memory_space<vmem>>) target(%dma_start3A_99 : memref<10016x128xf32, #tpu.memory_space<vmem_shared>>) offsets(%arg8 : memref<128xi32, #tpu.memory_space<vmem>>) semaphore(%run_scoped3A : memref<!tpu.dma_semaphore, #tpu.memory_space<semaphore_mem>>) {add = true}
        %dma_wait3A_100 = arith.constant 0 : i32
        %dma_wait3A_101 = arith.constant 0 : i32
        %dma_wait3A_102 = tpu.memref_slice %arg12[%dma_wait3A_100, %dma_wait3A_101] : memref<10016x128xf32, #tpu.memory_space<vmem_shared>> -> memref<10016x128xf32, #tpu.memory_space<vmem_shared>>
        tpu.wait_indirect_dma semaphore(%run_scoped3A : memref<!tpu.dma_semaphore, #tpu.memory_space<semaphore_mem>>) src(%arg10 : memref<128x128xf32, #tpu.memory_space<vmem>>) dst(%dma_wait3A_102 : memref<10016x128xf32, #tpu.memory_space<vmem_shared>>)
        tpu.yield
      }) : () -> ()
      %add3A_69 = arith.constant 2 : i32
      %add3A_70 = arith.addi %add3A_59, %add3A_69 : i32
      %lt3A_71 = arith.constant 80 : i32
      %lt3A_72 = arith.cmpi slt, %add3A_70, %lt3A_71 : i32
      %convert_element_type3A_73 = arith.extui %lt3A_72 : i1 to i32
      %cond3A_74 = arith.constant 0 : i32
      %cond3A_75 = arith.cmpi ne, %convert_element_type3A_73, %cond3A_74 : i32
      scf.if %cond3A_75 {
        %add3A_97 = arith.constant 2 : i32
        %add3A_98 = arith.addi %add3A_59, %add3A_97 : i32
        %mul3A_99 = arith.constant 128 : i32
        %mul3A_100 = arith.muli %add3A_98, %mul3A_99 : i32
        %add3A_101 = arith.addi %mul3A_2, %mul3A_100 : i32
        %multiple_of3A_102 = tpu.assume_multiple %add3A_101, 128 : i32
        %dma_wait3A_103 = tpu.memref_slice %arg2[%multiple_of3A_102] : memref<327680xi32, #tpu.memory_space<hbm>> -> memref<128xi32, #tpu.memory_space<hbm>>
        %dma_wait3A_104 = tpu.memref_slice %arg2[%multiple_of3A_102] : memref<327680xi32, #tpu.memory_space<hbm>> -> memref<128xi32, #tpu.memory_space<hbm>>
        tpu.wait_dma2 semaphore(%arg13 : memref<!tpu.dma_semaphore, #tpu.memory_space<semaphore_mem>>) src(%dma_wait3A_104 : memref<128xi32, #tpu.memory_space<hbm>>) dst(%arg6 : memref<128xi32, #tpu.memory_space<vmem>>)
        %dma_wait3A_105 = tpu.memref_slice %arg3[%multiple_of3A_102] : memref<327680xi32, #tpu.memory_space<hbm>> -> memref<128xi32, #tpu.memory_space<hbm>>
        %dma_wait3A_106 = tpu.memref_slice %arg3[%multiple_of3A_102] : memref<327680xi32, #tpu.memory_space<hbm>> -> memref<128xi32, #tpu.memory_space<hbm>>
        tpu.wait_dma2 semaphore(%arg13 : memref<!tpu.dma_semaphore, #tpu.memory_space<semaphore_mem>>) src(%dma_wait3A_106 : memref<128xi32, #tpu.memory_space<hbm>>) dst(%arg8 : memref<128xi32, #tpu.memory_space<vmem>>)
        %dma_start3A_107 = arith.constant 0 : i32
        %dma_start3A_108 = arith.constant 0 : i32
        %dma_start3A_109 = tpu.memref_slice %arg4[%dma_start3A_107, %dma_start3A_108] : memref<10000x128xf32, #tpu.memory_space<hbm>> -> memref<10000x128xf32, #tpu.memory_space<hbm>>
        tpu.enqueue_indirect_dma source(%dma_start3A_109 : memref<10000x128xf32, #tpu.memory_space<hbm>>) target(%arg10 : memref<128x128xf32, #tpu.memory_space<vmem>>) offsets(%arg6 : memref<128xi32, #tpu.memory_space<vmem>>) semaphore(%arg15 : memref<!tpu.dma_semaphore, #tpu.memory_space<semaphore_mem>>)
      } else {
      }
      %mul3A_76 = arith.constant 2 : i32
      %mul3A_77 = arith.muli %mul3A_76, %scan3A_55 : i32
      %add3A_78 = arith.constant 1 : i32
      %add3A_79 = arith.addi %mul3A_77, %add3A_78 : i32
      %dma_wait3A_80 = arith.constant 0 : i32
      %dma_wait3A_81 = arith.constant 0 : i32
      %dma_wait3A_82 = tpu.memref_slice %arg4[%dma_wait3A_80, %dma_wait3A_81] : memref<10000x128xf32, #tpu.memory_space<hbm>> -> memref<10000x128xf32, #tpu.memory_space<hbm>>
      tpu.wait_indirect_dma semaphore(%arg16 : memref<!tpu.dma_semaphore, #tpu.memory_space<semaphore_mem>>) src(%dma_wait3A_82 : memref<10000x128xf32, #tpu.memory_space<hbm>>) dst(%arg11 : memref<128x128xf32, #tpu.memory_space<vmem>>)
      %add3A_83 = arith.constant 2 : i32
      %add3A_84 = arith.addi %add3A_79, %add3A_83 : i32
      %lt3A_85 = arith.constant 80 : i32
      %lt3A_86 = arith.cmpi slt, %add3A_84, %lt3A_85 : i32
      %convert_element_type3A_87 = arith.extui %lt3A_86 : i1 to i32
      %cond3A_88 = arith.constant 0 : i32
      %cond3A_89 = arith.cmpi ne, %convert_element_type3A_87, %cond3A_88 : i32
      scf.if %cond3A_89 {
        %add3A_97 = arith.constant 2 : i32
        %add3A_98 = arith.addi %add3A_79, %add3A_97 : i32
        %mul3A_99 = arith.constant 128 : i32
        %mul3A_100 = arith.muli %add3A_98, %mul3A_99 : i32
        %add3A_101 = arith.addi %mul3A_2, %mul3A_100 : i32
        %multiple_of3A_102 = tpu.assume_multiple %add3A_101, 128 : i32
        %dma_start3A_103 = tpu.memref_slice %arg2[%multiple_of3A_102] : memref<327680xi32, #tpu.memory_space<hbm>> -> memref<128xi32, #tpu.memory_space<hbm>>
        %dma_start3A_104 = tpu.memref_slice %arg2[%multiple_of3A_102] : memref<327680xi32, #tpu.memory_space<hbm>> -> memref<128xi32, #tpu.memory_space<hbm>>
        tpu.enqueue_dma source(%dma_start3A_104 : memref<128xi32, #tpu.memory_space<hbm>>) target(%arg7 : memref<128xi32, #tpu.memory_space<vmem>>) target_semaphore(%arg14 : memref<!tpu.dma_semaphore, #tpu.memory_space<semaphore_mem>>)
        %dma_start3A_105 = tpu.memref_slice %arg3[%multiple_of3A_102] : memref<327680xi32, #tpu.memory_space<hbm>> -> memref<128xi32, #tpu.memory_space<hbm>>
        %dma_start3A_106 = tpu.memref_slice %arg3[%multiple_of3A_102] : memref<327680xi32, #tpu.memory_space<hbm>> -> memref<128xi32, #tpu.memory_space<hbm>>
        tpu.enqueue_dma source(%dma_start3A_106 : memref<128xi32, #tpu.memory_space<hbm>>) target(%arg9 : memref<128xi32, #tpu.memory_space<vmem>>) target_semaphore(%arg14 : memref<!tpu.dma_semaphore, #tpu.memory_space<semaphore_mem>>)
      } else {
      }
      "tpu.region"() ({
        %run_scoped3A = tpu.sem_alloc : memref<!tpu.dma_semaphore, #tpu.memory_space<semaphore_mem>>
        %dma_start3A_97 = arith.constant 0 : i32
        %dma_start3A_98 = arith.constant 0 : i32
        %dma_start3A_99 = tpu.memref_slice %arg12[%dma_start3A_97, %dma_start3A_98] : memref<10016x128xf32, #tpu.memory_space<vmem_shared>> -> memref<10016x128xf32, #tpu.memory_space<vmem_shared>>
        tpu.enqueue_indirect_dma source(%arg11 : memref<128x128xf32, #tpu.memory_space<vmem>>) target(%dma_start3A_99 : memref<10016x128xf32, #tpu.memory_space<vmem_shared>>) offsets(%arg9 : memref<128xi32, #tpu.memory_space<vmem>>) semaphore(%run_scoped3A : memref<!tpu.dma_semaphore, #tpu.memory_space<semaphore_mem>>) {add = true}
        %dma_wait3A_100 = arith.constant 0 : i32
        %dma_wait3A_101 = arith.constant 0 : i32
        %dma_wait3A_102 = tpu.memref_slice %arg12[%dma_wait3A_100, %dma_wait3A_101] : memref<10016x128xf32, #tpu.memory_space<vmem_shared>> -> memref<10016x128xf32, #tpu.memory_space<vmem_shared>>
        tpu.wait_indirect_dma semaphore(%run_scoped3A : memref<!tpu.dma_semaphore, #tpu.memory_space<semaphore_mem>>) src(%arg11 : memref<128x128xf32, #tpu.memory_space<vmem>>) dst(%dma_wait3A_102 : memref<10016x128xf32, #tpu.memory_space<vmem_shared>>)
        tpu.yield
      }) : () -> ()
      %add3A_90 = arith.constant 2 : i32
      %add3A_91 = arith.addi %add3A_79, %add3A_90 : i32
      %lt3A_92 = arith.constant 80 : i32
      %lt3A_93 = arith.cmpi slt, %add3A_91, %lt3A_92 : i32
      %convert_element_type3A_94 = arith.extui %lt3A_93 : i1 to i32
      %cond3A_95 = arith.constant 0 : i32
      %cond3A_96 = arith.cmpi ne, %convert_element_type3A_94, %cond3A_95 : i32
      scf.if %cond3A_96 {
        %add3A_97 = arith.constant 2 : i32
        %add3A_98 = arith.addi %add3A_79, %add3A_97 : i32
        %mul3A_99 = arith.constant 128 : i32
        %mul3A_100 = arith.muli %add3A_98, %mul3A_99 : i32
        %add3A_101 = arith.addi %mul3A_2, %mul3A_100 : i32
        %multiple_of3A_102 = tpu.assume_multiple %add3A_101, 128 : i32
        %dma_wait3A_103 = tpu.memref_slice %arg2[%multiple_of3A_102] : memref<327680xi32, #tpu.memory_space<hbm>> -> memref<128xi32, #tpu.memory_space<hbm>>
        %dma_wait3A_104 = tpu.memref_slice %arg2[%multiple_of3A_102] : memref<327680xi32, #tpu.memory_space<hbm>> -> memref<128xi32, #tpu.memory_space<hbm>>
        tpu.wait_dma2 semaphore(%arg14 : memref<!tpu.dma_semaphore, #tpu.memory_space<semaphore_mem>>) src(%dma_wait3A_104 : memref<128xi32, #tpu.memory_space<hbm>>) dst(%arg7 : memref<128xi32, #tpu.memory_space<vmem>>)
        %dma_wait3A_105 = tpu.memref_slice %arg3[%multiple_of3A_102] : memref<327680xi32, #tpu.memory_space<hbm>> -> memref<128xi32, #tpu.memory_space<hbm>>
        %dma_wait3A_106 = tpu.memref_slice %arg3[%multiple_of3A_102] : memref<327680xi32, #tpu.memory_space<hbm>> -> memref<128xi32, #tpu.memory_space<hbm>>
        tpu.wait_dma2 semaphore(%arg14 : memref<!tpu.dma_semaphore, #tpu.memory_space<semaphore_mem>>) src(%dma_wait3A_106 : memref<128xi32, #tpu.memory_space<hbm>>) dst(%arg9 : memref<128xi32, #tpu.memory_space<vmem>>)
        %dma_start3A_107 = arith.constant 0 : i32
        %dma_start3A_108 = arith.constant 0 : i32
        %dma_start3A_109 = tpu.memref_slice %arg4[%dma_start3A_107, %dma_start3A_108] : memref<10000x128xf32, #tpu.memory_space<hbm>> -> memref<10000x128xf32, #tpu.memory_space<hbm>>
        tpu.enqueue_indirect_dma source(%dma_start3A_109 : memref<10000x128xf32, #tpu.memory_space<hbm>>) target(%arg11 : memref<128x128xf32, #tpu.memory_space<vmem>>) offsets(%arg7 : memref<128xi32, #tpu.memory_space<vmem>>) semaphore(%arg16 : memref<!tpu.dma_semaphore, #tpu.memory_space<semaphore_mem>>)
      } else {
      }
    }
    %scan3A_44 = arith.constant 40 : i32
    %barrier3A_45 = arith.constant 0 : index
    tpu.barrier barrier_id(%barrier3A_45)
    %mul3A_46 = arith.constant 624 : i32
    %mul3A_47 = arith.muli %arg1, %mul3A_46 : i32
    %mul3A_48 = arith.constant 624 : i32
    %mul3A_49 = arith.muli %arg1, %mul3A_48 : i32
    "tpu.region"() ({
      %run_scoped3A = tpu.sem_alloc : memref<!tpu.dma_semaphore, #tpu.memory_space<semaphore_mem>>
      %dma_start3A_55 = arith.constant 0 : i32
      %dma_start3A_56 = tpu.memref_slice %arg5[%arg0, %mul3A_49, %dma_start3A_55] : memref<2x10000x128xf32, #tpu.memory_space<hbm>> -> memref<1x624x128xf32, #tpu.memory_space<hbm>>
      %dma_start3A_57 = tpu.memref_squeeze %dma_start3A_56 : memref<1x624x128xf32, #tpu.memory_space<hbm>> -> memref<624x128xf32, #tpu.memory_space<hbm>>
      %dma_start3A_58 = arith.constant 0 : i32
      %dma_start3A_59 = tpu.memref_slice %arg12[%mul3A_47, %dma_start3A_58] : memref<10016x128xf32, #tpu.memory_space<vmem_shared>> -> memref<624x128xf32, #tpu.memory_space<vmem_shared>>
      tpu.enqueue_dma source(%dma_start3A_59 : memref<624x128xf32, #tpu.memory_space<vmem_shared>>) target(%dma_start3A_57 : memref<624x128xf32, #tpu.memory_space<hbm>>) target_semaphore(%run_scoped3A : memref<!tpu.dma_semaphore, #tpu.memory_space<semaphore_mem>>)
      %dma_wait3A_60 = arith.constant 0 : i32
      %dma_wait3A_61 = tpu.memref_slice %arg5[%arg0, %mul3A_49, %dma_wait3A_60] : memref<2x10000x128xf32, #tpu.memory_space<hbm>> -> memref<1x624x128xf32, #tpu.memory_space<hbm>>
      %dma_wait3A_62 = tpu.memref_squeeze %dma_wait3A_61 : memref<1x624x128xf32, #tpu.memory_space<hbm>> -> memref<624x128xf32, #tpu.memory_space<hbm>>
      %dma_wait3A_63 = arith.constant 0 : i32
      %dma_wait3A_64 = tpu.memref_slice %arg12[%mul3A_47, %dma_wait3A_63] : memref<10016x128xf32, #tpu.memory_space<vmem_shared>> -> memref<624x128xf32, #tpu.memory_space<vmem_shared>>
      tpu.wait_dma2 semaphore(%run_scoped3A : memref<!tpu.dma_semaphore, #tpu.memory_space<semaphore_mem>>) src(%dma_wait3A_64 : memref<624x128xf32, #tpu.memory_space<vmem_shared>>) dst(%dma_wait3A_62 : memref<624x128xf32, #tpu.memory_space<hbm>>)
      tpu.yield
    }) : () -> ()
    %eq3A_50 = arith.constant 0 : i32
    %eq3A_51 = arith.cmpi eq, %arg1, %eq3A_50 : i32
    %convert_element_type3A_52 = arith.extui %eq3A_51 : i1 to i32
    %cond3A_53 = arith.constant 0 : i32
    %cond3A_54 = arith.cmpi ne, %convert_element_type3A_52, %cond3A_53 : i32
    scf.if %cond3A_54 {
      "tpu.region"() ({
        %run_scoped3A = tpu.sem_alloc : memref<!tpu.dma_semaphore, #tpu.memory_space<semaphore_mem>>
        %dma_start3A_55 = arith.constant 9984 : i32
        %dma_start3A_56 = arith.constant 0 : i32
        %dma_start3A_57 = tpu.memref_slice %arg5[%arg0, %dma_start3A_55, %dma_start3A_56] : memref<2x10000x128xf32, #tpu.memory_space<hbm>> -> memref<1x16x128xf32, #tpu.memory_space<hbm>>
        %dma_start3A_58 = tpu.memref_squeeze %dma_start3A_57 : memref<1x16x128xf32, #tpu.memory_space<hbm>> -> memref<16x128xf32, #tpu.memory_space<hbm>>
        %dma_start3A_59 = arith.constant 9984 : i32
        %dma_start3A_60 = arith.constant 0 : i32
        %dma_start3A_61 = tpu.memref_slice %arg12[%dma_start3A_59, %dma_start3A_60] : memref<10016x128xf32, #tpu.memory_space<vmem_shared>> -> memref<16x128xf32, #tpu.memory_space<vmem_shared>>
        tpu.enqueue_dma source(%dma_start3A_61 : memref<16x128xf32, #tpu.memory_space<vmem_shared>>) target(%dma_start3A_58 : memref<16x128xf32, #tpu.memory_space<hbm>>) target_semaphore(%run_scoped3A : memref<!tpu.dma_semaphore, #tpu.memory_space<semaphore_mem>>)
        %dma_wait3A_62 = arith.constant 9984 : i32
        %dma_wait3A_63 = arith.constant 0 : i32
        %dma_wait3A_64 = tpu.memref_slice %arg5[%arg0, %dma_wait3A_62, %dma_wait3A_63] : memref<2x10000x128xf32, #tpu.memory_space<hbm>> -> memref<1x16x128xf32, #tpu.memory_space<hbm>>
        %dma_wait3A_65 = tpu.memref_squeeze %dma_wait3A_64 : memref<1x16x128xf32, #tpu.memory_space<hbm>> -> memref<16x128xf32, #tpu.memory_space<hbm>>
        %dma_wait3A_66 = arith.constant 9984 : i32
        %dma_wait3A_67 = arith.constant 0 : i32
        %dma_wait3A_68 = tpu.memref_slice %arg12[%dma_wait3A_66, %dma_wait3A_67] : memref<10016x128xf32, #tpu.memory_space<vmem_shared>> -> memref<16x128xf32, #tpu.memory_space<vmem_shared>>
        tpu.wait_dma2 semaphore(%run_scoped3A : memref<!tpu.dma_semaphore, #tpu.memory_space<semaphore_mem>>) src(%dma_wait3A_68 : memref<16x128xf32, #tpu.memory_space<vmem_shared>>) dst(%dma_wait3A_65 : memref<16x128xf32, #tpu.memory_space<hbm>>)
        tpu.yield
      }) : () -> ()
    } else {
    }
    return
  }
}

#map = affine_map<(d0, d1) -> (0)>
#map1 = affine_map<(d0, d1) -> (0, 0)>
#map2 = affine_map<(d0, d1) -> (0, 0, 0)>
module attributes {stable_mosaic.version = 14 : i64} {
  func.func @_agg_body(%arg0: i32, %arg1: i32, %arg2: memref<327680xi32, #tpu.memory_space<hbm>>, %arg3: memref<327680xi32, #tpu.memory_space<hbm>>, %arg4: memref<10000x128xf32, #tpu.memory_space<hbm>>, %arg5: memref<2x10000x128xf32, #tpu.memory_space<hbm>>, %arg6: memref<128xi32, #tpu.memory_space<vmem>>, %arg7: memref<128xi32, #tpu.memory_space<vmem>>, %arg8: memref<128xi32, #tpu.memory_space<vmem>>, %arg9: memref<128xi32, #tpu.memory_space<vmem>>, %arg10: memref<128x128xf32, #tpu.memory_space<vmem>>, %arg11: memref<128x128xf32, #tpu.memory_space<vmem>>, %arg12: memref<10016x128xf32, #tpu.memory_space<vmem_shared>>, %arg13: memref<!tpu.dma_semaphore, #tpu.memory_space<semaphore_mem>>, %arg14: memref<!tpu.dma_semaphore, #tpu.memory_space<semaphore_mem>>, %arg15: memref<!tpu.dma_semaphore, #tpu.memory_space<semaphore_mem>>, %arg16: memref<!tpu.dma_semaphore, #tpu.memory_space<semaphore_mem>>) attributes {dimension_semantics = [#tpu.dimension_semantics<core_parallel>, #tpu.dimension_semantics<subcore_parallel>], iteration_bounds = array<i64: 2, 16>, scalar_prefetch = 0 : i64, scratch_operands = 11 : i64, tpu.core_type = #tpu.core_type<sc_vector_subcore>, window_params = [{transform_indices = #map}, {transform_indices = #map}, {transform_indices = #map1}, {transform_indices = #map2}]} {
    %mul3A = arith.constant 2 : i32
    %mul3A_0 = arith.muli %arg1, %mul3A : i32
    %add3A = arith.addi %mul3A_0, %arg0 : i32
    %mul3A_1 = arith.constant 10240 : i32
    %mul3A_2 = arith.muli %add3A, %mul3A_1 : i32
    %mul3A_3 = arith.constant 624 : i32
    %mul3A_4 = arith.muli %arg1, %mul3A_3 : i32
    %mul3A_5 = arith.constant 624 : i32
    %mul3A_6 = arith.muli %arg1, %mul3A_5 : i32
    "tpu.region"() ({
      %run_scoped3A = tpu.sem_alloc : memref<!tpu.dma_semaphore, #tpu.memory_space<semaphore_mem>>
      %dma_start3A_55 = arith.constant 0 : i32
      %dma_start3A_56 = tpu.memref_slice %arg12[%mul3A_6, %dma_start3A_55] : memref<10016x128xf32, #tpu.memory_space<vmem_shared>> -> memref<624x128xf32, #tpu.memory_space<vmem_shared>>
      %dma_start3A_57 = arith.constant 0 : i32
      %dma_start3A_58 = tpu.memref_slice %arg4[%mul3A_4, %dma_start3A_57] : memref<10000x128xf32, #tpu.memory_space<hbm>> -> memref<624x128xf32, #tpu.memory_space<hbm>>
      tpu.enqueue_dma source(%dma_start3A_58 : memref<624x128xf32, #tpu.memory_space<hbm>>) target(%dma_start3A_56 : memref<624x128xf32, #tpu.memory_space<vmem_shared>>) target_semaphore(%run_scoped3A : memref<!tpu.dma_semaphore, #tpu.memory_space<semaphore_mem>>)
      %dma_wait3A_59 = arith.constant 0 : i32
      %dma_wait3A_60 = tpu.memref_slice %arg12[%mul3A_6, %dma_wait3A_59] : memref<10016x128xf32, #tpu.memory_space<vmem_shared>> -> memref<624x128xf32, #tpu.memory_space<vmem_shared>>
      %dma_wait3A_61 = arith.constant 0 : i32
      %dma_wait3A_62 = tpu.memref_slice %arg4[%mul3A_4, %dma_wait3A_61] : memref<10000x128xf32, #tpu.memory_space<hbm>> -> memref<624x128xf32, #tpu.memory_space<hbm>>
      tpu.wait_dma2 semaphore(%run_scoped3A : memref<!tpu.dma_semaphore, #tpu.memory_space<semaphore_mem>>) src(%dma_wait3A_62 : memref<624x128xf32, #tpu.memory_space<hbm>>) dst(%dma_wait3A_60 : memref<624x128xf32, #tpu.memory_space<vmem_shared>>)
      tpu.yield
    }) : () -> ()
    %eq3A = arith.constant 0 : i32
    %eq3A_7 = arith.cmpi eq, %arg1, %eq3A : i32
    %convert_element_type3A = arith.extui %eq3A_7 : i1 to i32
    %cond3A = arith.constant 0 : i32
    %cond3A_8 = arith.cmpi ne, %convert_element_type3A, %cond3A : i32
    scf.if %cond3A_8 {
      "tpu.region"() ({
        %run_scoped3A = tpu.sem_alloc : memref<!tpu.dma_semaphore, #tpu.memory_space<semaphore_mem>>
        %dma_start3A_55 = arith.constant 9984 : i32
        %dma_start3A_56 = arith.constant 0 : i32
        %dma_start3A_57 = tpu.memref_slice %arg12[%dma_start3A_55, %dma_start3A_56] : memref<10016x128xf32, #tpu.memory_space<vmem_shared>> -> memref<16x128xf32, #tpu.memory_space<vmem_shared>>
        %dma_start3A_58 = arith.constant 9984 : i32
        %dma_start3A_59 = arith.constant 0 : i32
        %dma_start3A_60 = tpu.memref_slice %arg4[%dma_start3A_58, %dma_start3A_59] : memref<10000x128xf32, #tpu.memory_space<hbm>> -> memref<16x128xf32, #tpu.memory_space<hbm>>
        tpu.enqueue_dma source(%dma_start3A_60 : memref<16x128xf32, #tpu.memory_space<hbm>>) target(%dma_start3A_57 : memref<16x128xf32, #tpu.memory_space<vmem_shared>>) target_semaphore(%run_scoped3A : memref<!tpu.dma_semaphore, #tpu.memory_space<semaphore_mem>>)
        %dma_wait3A_61 = arith.constant 9984 : i32
        %dma_wait3A_62 = arith.constant 0 : i32
        %dma_wait3A_63 = tpu.memref_slice %arg12[%dma_wait3A_61, %dma_wait3A_62] : memref<10016x128xf32, #tpu.memory_space<vmem_shared>> -> memref<16x128xf32, #tpu.memory_space<vmem_shared>>
        %dma_wait3A_64 = arith.constant 9984 : i32
        %dma_wait3A_65 = arith.constant 0 : i32
        %dma_wait3A_66 = tpu.memref_slice %arg4[%dma_wait3A_64, %dma_wait3A_65] : memref<10000x128xf32, #tpu.memory_space<hbm>> -> memref<16x128xf32, #tpu.memory_space<hbm>>
        tpu.wait_dma2 semaphore(%run_scoped3A : memref<!tpu.dma_semaphore, #tpu.memory_space<semaphore_mem>>) src(%dma_wait3A_66 : memref<16x128xf32, #tpu.memory_space<hbm>>) dst(%dma_wait3A_63 : memref<16x128xf32, #tpu.memory_space<vmem_shared>>)
        tpu.yield
      }) : () -> ()
    } else {
    }
    %barrier3A = arith.constant 0 : index
    tpu.barrier barrier_id(%barrier3A)
    %add3A_9 = arith.constant 0 : i32
    %add3A_10 = arith.addi %mul3A_2, %add3A_9 : i32
    %multiple_of3A = tpu.assume_multiple %add3A_10, 128 : i32
    %dma_start3A = tpu.memref_slice %arg2[%multiple_of3A] : memref<327680xi32, #tpu.memory_space<hbm>> -> memref<128xi32, #tpu.memory_space<hbm>>
    %dma_start3A_11 = tpu.memref_slice %arg2[%multiple_of3A] : memref<327680xi32, #tpu.memory_space<hbm>> -> memref<128xi32, #tpu.memory_space<hbm>>
    tpu.enqueue_dma source(%dma_start3A_11 : memref<128xi32, #tpu.memory_space<hbm>>) target(%arg6 : memref<128xi32, #tpu.memory_space<vmem>>) target_semaphore(%arg13 : memref<!tpu.dma_semaphore, #tpu.memory_space<semaphore_mem>>)
    %dma_start3A_12 = tpu.memref_slice %arg3[%multiple_of3A] : memref<327680xi32, #tpu.memory_space<hbm>> -> memref<128xi32, #tpu.memory_space<hbm>>
    %dma_start3A_13 = tpu.memref_slice %arg3[%multiple_of3A] : memref<327680xi32, #tpu.memory_space<hbm>> -> memref<128xi32, #tpu.memory_space<hbm>>
    tpu.enqueue_dma source(%dma_start3A_13 : memref<128xi32, #tpu.memory_space<hbm>>) target(%arg8 : memref<128xi32, #tpu.memory_space<vmem>>) target_semaphore(%arg13 : memref<!tpu.dma_semaphore, #tpu.memory_space<semaphore_mem>>)
    %add3A_14 = arith.constant 0 : i32
    %add3A_15 = arith.addi %mul3A_2, %add3A_14 : i32
    %multiple_of3A_16 = tpu.assume_multiple %add3A_15, 128 : i32
    %dma_wait3A = tpu.memref_slice %arg2[%multiple_of3A_16] : memref<327680xi32, #tpu.memory_space<hbm>> -> memref<128xi32, #tpu.memory_space<hbm>>
    %dma_wait3A_17 = tpu.memref_slice %arg2[%multiple_of3A_16] : memref<327680xi32, #tpu.memory_space<hbm>> -> memref<128xi32, #tpu.memory_space<hbm>>
    tpu.wait_dma2 semaphore(%arg13 : memref<!tpu.dma_semaphore, #tpu.memory_space<semaphore_mem>>) src(%dma_wait3A_17 : memref<128xi32, #tpu.memory_space<hbm>>) dst(%arg6 : memref<128xi32, #tpu.memory_space<vmem>>)
    %dma_wait3A_18 = tpu.memref_slice %arg3[%multiple_of3A_16] : memref<327680xi32, #tpu.memory_space<hbm>> -> memref<128xi32, #tpu.memory_space<hbm>>
    %dma_wait3A_19 = tpu.memref_slice %arg3[%multiple_of3A_16] : memref<327680xi32, #tpu.memory_space<hbm>> -> memref<128xi32, #tpu.memory_space<hbm>>
    tpu.wait_dma2 semaphore(%arg13 : memref<!tpu.dma_semaphore, #tpu.memory_space<semaphore_mem>>) src(%dma_wait3A_19 : memref<128xi32, #tpu.memory_space<hbm>>) dst(%arg8 : memref<128xi32, #tpu.memory_space<vmem>>)
    %dma_start3A_20 = arith.constant 0 : i32
    %dma_start3A_21 = arith.constant 0 : i32
    %dma_start3A_22 = tpu.memref_slice %arg4[%dma_start3A_20, %dma_start3A_21] : memref<10000x128xf32, #tpu.memory_space<hbm>> -> memref<10000x128xf32, #tpu.memory_space<hbm>>
    tpu.enqueue_indirect_dma source(%dma_start3A_22 : memref<10000x128xf32, #tpu.memory_space<hbm>>) target(%arg10 : memref<128x128xf32, #tpu.memory_space<vmem>>) offsets(%arg6 : memref<128xi32, #tpu.memory_space<vmem>>) semaphore(%arg15 : memref<!tpu.dma_semaphore, #tpu.memory_space<semaphore_mem>>)
    %add3A_23 = arith.constant 128 : i32
    %add3A_24 = arith.addi %mul3A_2, %add3A_23 : i32
    %multiple_of3A_25 = tpu.assume_multiple %add3A_24, 128 : i32
    %dma_start3A_26 = tpu.memref_slice %arg2[%multiple_of3A_25] : memref<327680xi32, #tpu.memory_space<hbm>> -> memref<128xi32, #tpu.memory_space<hbm>>
    %dma_start3A_27 = tpu.memref_slice %arg2[%multiple_of3A_25] : memref<327680xi32, #tpu.memory_space<hbm>> -> memref<128xi32, #tpu.memory_space<hbm>>
    tpu.enqueue_dma source(%dma_start3A_27 : memref<128xi32, #tpu.memory_space<hbm>>) target(%arg7 : memref<128xi32, #tpu.memory_space<vmem>>) target_semaphore(%arg14 : memref<!tpu.dma_semaphore, #tpu.memory_space<semaphore_mem>>)
    %dma_start3A_28 = tpu.memref_slice %arg3[%multiple_of3A_25] : memref<327680xi32, #tpu.memory_space<hbm>> -> memref<128xi32, #tpu.memory_space<hbm>>
    %dma_start3A_29 = tpu.memref_slice %arg3[%multiple_of3A_25] : memref<327680xi32, #tpu.memory_space<hbm>> -> memref<128xi32, #tpu.memory_space<hbm>>
    tpu.enqueue_dma source(%dma_start3A_29 : memref<128xi32, #tpu.memory_space<hbm>>) target(%arg9 : memref<128xi32, #tpu.memory_space<vmem>>) target_semaphore(%arg14 : memref<!tpu.dma_semaphore, #tpu.memory_space<semaphore_mem>>)
    %add3A_30 = arith.constant 128 : i32
    %add3A_31 = arith.addi %mul3A_2, %add3A_30 : i32
    %multiple_of3A_32 = tpu.assume_multiple %add3A_31, 128 : i32
    %dma_wait3A_33 = tpu.memref_slice %arg2[%multiple_of3A_32] : memref<327680xi32, #tpu.memory_space<hbm>> -> memref<128xi32, #tpu.memory_space<hbm>>
    %dma_wait3A_34 = tpu.memref_slice %arg2[%multiple_of3A_32] : memref<327680xi32, #tpu.memory_space<hbm>> -> memref<128xi32, #tpu.memory_space<hbm>>
    tpu.wait_dma2 semaphore(%arg14 : memref<!tpu.dma_semaphore, #tpu.memory_space<semaphore_mem>>) src(%dma_wait3A_34 : memref<128xi32, #tpu.memory_space<hbm>>) dst(%arg7 : memref<128xi32, #tpu.memory_space<vmem>>)
    %dma_wait3A_35 = tpu.memref_slice %arg3[%multiple_of3A_32] : memref<327680xi32, #tpu.memory_space<hbm>> -> memref<128xi32, #tpu.memory_space<hbm>>
    %dma_wait3A_36 = tpu.memref_slice %arg3[%multiple_of3A_32] : memref<327680xi32, #tpu.memory_space<hbm>> -> memref<128xi32, #tpu.memory_space<hbm>>
    tpu.wait_dma2 semaphore(%arg14 : memref<!tpu.dma_semaphore, #tpu.memory_space<semaphore_mem>>) src(%dma_wait3A_36 : memref<128xi32, #tpu.memory_space<hbm>>) dst(%arg9 : memref<128xi32, #tpu.memory_space<vmem>>)
    %dma_start3A_37 = arith.constant 0 : i32
    %dma_start3A_38 = arith.constant 0 : i32
    %dma_start3A_39 = tpu.memref_slice %arg4[%dma_start3A_37, %dma_start3A_38] : memref<10000x128xf32, #tpu.memory_space<hbm>> -> memref<10000x128xf32, #tpu.memory_space<hbm>>
    tpu.enqueue_indirect_dma source(%dma_start3A_39 : memref<10000x128xf32, #tpu.memory_space<hbm>>) target(%arg11 : memref<128x128xf32, #tpu.memory_space<vmem>>) offsets(%arg7 : memref<128xi32, #tpu.memory_space<vmem>>) semaphore(%arg16 : memref<!tpu.dma_semaphore, #tpu.memory_space<semaphore_mem>>)
    %scan3A = arith.constant 0 : i32
    %scan3A_40 = arith.constant 0 : i32
    %scan3A_41 = arith.constant 40 : i32
    %scan3A_42 = arith.addi %scan3A_40, %scan3A_41 : i32
    %scan3A_43 = arith.constant 1 : i32
    scf.for %scan3A_55 = %scan3A_40 to %scan3A_42 step %scan3A_43  : i32 {
      %mul3A_56 = arith.constant 2 : i32
      %mul3A_57 = arith.muli %mul3A_56, %scan3A_55 : i32
      %add3A_58 = arith.constant 0 : i32
      %add3A_59 = arith.addi %mul3A_57, %add3A_58 : i32
      %dma_wait3A_60 = arith.constant 0 : i32
      %dma_wait3A_61 = arith.constant 0 : i32
      %dma_wait3A_62 = tpu.memref_slice %arg4[%dma_wait3A_60, %dma_wait3A_61] : memref<10000x128xf32, #tpu.memory_space<hbm>> -> memref<10000x128xf32, #tpu.memory_space<hbm>>
      tpu.wait_indirect_dma semaphore(%arg15 : memref<!tpu.dma_semaphore, #tpu.memory_space<semaphore_mem>>) src(%dma_wait3A_62 : memref<10000x128xf32, #tpu.memory_space<hbm>>) dst(%arg10 : memref<128x128xf32, #tpu.memory_space<vmem>>)
      %add3A_63 = arith.constant 2 : i32
      %add3A_64 = arith.addi %add3A_59, %add3A_63 : i32
      %lt3A = arith.constant 80 : i32
      %lt3A_65 = arith.cmpi slt, %add3A_64, %lt3A : i32
      %convert_element_type3A_66 = arith.extui %lt3A_65 : i1 to i32
      %cond3A_67 = arith.constant 0 : i32
      %cond3A_68 = arith.cmpi ne, %convert_element_type3A_66, %cond3A_67 : i32
      scf.if %cond3A_68 {
        %add3A_97 = arith.constant 2 : i32
        %add3A_98 = arith.addi %add3A_59, %add3A_97 : i32
        %mul3A_99 = arith.constant 128 : i32
        %mul3A_100 = arith.muli %add3A_98, %mul3A_99 : i32
        %add3A_101 = arith.addi %mul3A_2, %mul3A_100 : i32
        %multiple_of3A_102 = tpu.assume_multiple %add3A_101, 128 : i32
        %dma_start3A_103 = tpu.memref_slice %arg2[%multiple_of3A_102] : memref<327680xi32, #tpu.memory_space<hbm>> -> memref<128xi32, #tpu.memory_space<hbm>>
        %dma_start3A_104 = tpu.memref_slice %arg2[%multiple_of3A_102] : memref<327680xi32, #tpu.memory_space<hbm>> -> memref<128xi32, #tpu.memory_space<hbm>>
        tpu.enqueue_dma source(%dma_start3A_104 : memref<128xi32, #tpu.memory_space<hbm>>) target(%arg6 : memref<128xi32, #tpu.memory_space<vmem>>) target_semaphore(%arg13 : memref<!tpu.dma_semaphore, #tpu.memory_space<semaphore_mem>>)
        %dma_start3A_105 = tpu.memref_slice %arg3[%multiple_of3A_102] : memref<327680xi32, #tpu.memory_space<hbm>> -> memref<128xi32, #tpu.memory_space<hbm>>
        %dma_start3A_106 = tpu.memref_slice %arg3[%multiple_of3A_102] : memref<327680xi32, #tpu.memory_space<hbm>> -> memref<128xi32, #tpu.memory_space<hbm>>
        tpu.enqueue_dma source(%dma_start3A_106 : memref<128xi32, #tpu.memory_space<hbm>>) target(%arg8 : memref<128xi32, #tpu.memory_space<vmem>>) target_semaphore(%arg13 : memref<!tpu.dma_semaphore, #tpu.memory_space<semaphore_mem>>)
      } else {
      }
      "tpu.region"() ({
        %run_scoped3A = tpu.sem_alloc : memref<!tpu.dma_semaphore, #tpu.memory_space<semaphore_mem>>
        %dma_start3A_97 = arith.constant 0 : i32
        %dma_start3A_98 = arith.constant 0 : i32
        %dma_start3A_99 = tpu.memref_slice %arg12[%dma_start3A_97, %dma_start3A_98] : memref<10016x128xf32, #tpu.memory_space<vmem_shared>> -> memref<10016x128xf32, #tpu.memory_space<vmem_shared>>
        tpu.enqueue_indirect_dma source(%arg10 : memref<128x128xf32, #tpu.memory_space<vmem>>) target(%dma_start3A_99 : memref<10016x128xf32, #tpu.memory_space<vmem_shared>>) offsets(%arg8 : memref<128xi32, #tpu.memory_space<vmem>>) semaphore(%run_scoped3A : memref<!tpu.dma_semaphore, #tpu.memory_space<semaphore_mem>>) {add = true}
        %dma_wait3A_100 = arith.constant 0 : i32
        %dma_wait3A_101 = arith.constant 0 : i32
        %dma_wait3A_102 = tpu.memref_slice %arg12[%dma_wait3A_100, %dma_wait3A_101] : memref<10016x128xf32, #tpu.memory_space<vmem_shared>> -> memref<10016x128xf32, #tpu.memory_space<vmem_shared>>
        tpu.wait_indirect_dma semaphore(%run_scoped3A : memref<!tpu.dma_semaphore, #tpu.memory_space<semaphore_mem>>) src(%arg10 : memref<128x128xf32, #tpu.memory_space<vmem>>) dst(%dma_wait3A_102 : memref<10016x128xf32, #tpu.memory_space<vmem_shared>>)
        tpu.yield
      }) : () -> ()
      %add3A_69 = arith.constant 2 : i32
      %add3A_70 = arith.addi %add3A_59, %add3A_69 : i32
      %lt3A_71 = arith.constant 80 : i32
      %lt3A_72 = arith.cmpi slt, %add3A_70, %lt3A_71 : i32
      %convert_element_type3A_73 = arith.extui %lt3A_72 : i1 to i32
      %cond3A_74 = arith.constant 0 : i32
      %cond3A_75 = arith.cmpi ne, %convert_element_type3A_73, %cond3A_74 : i32
      scf.if %cond3A_75 {
        %add3A_97 = arith.constant 2 : i32
        %add3A_98 = arith.addi %add3A_59, %add3A_97 : i32
        %mul3A_99 = arith.constant 128 : i32
        %mul3A_100 = arith.muli %add3A_98, %mul3A_99 : i32
        %add3A_101 = arith.addi %mul3A_2, %mul3A_100 : i32
        %multiple_of3A_102 = tpu.assume_multiple %add3A_101, 128 : i32
        %dma_wait3A_103 = tpu.memref_slice %arg2[%multiple_of3A_102] : memref<327680xi32, #tpu.memory_space<hbm>> -> memref<128xi32, #tpu.memory_space<hbm>>
        %dma_wait3A_104 = tpu.memref_slice %arg2[%multiple_of3A_102] : memref<327680xi32, #tpu.memory_space<hbm>> -> memref<128xi32, #tpu.memory_space<hbm>>
        tpu.wait_dma2 semaphore(%arg13 : memref<!tpu.dma_semaphore, #tpu.memory_space<semaphore_mem>>) src(%dma_wait3A_104 : memref<128xi32, #tpu.memory_space<hbm>>) dst(%arg6 : memref<128xi32, #tpu.memory_space<vmem>>)
        %dma_wait3A_105 = tpu.memref_slice %arg3[%multiple_of3A_102] : memref<327680xi32, #tpu.memory_space<hbm>> -> memref<128xi32, #tpu.memory_space<hbm>>
        %dma_wait3A_106 = tpu.memref_slice %arg3[%multiple_of3A_102] : memref<327680xi32, #tpu.memory_space<hbm>> -> memref<128xi32, #tpu.memory_space<hbm>>
        tpu.wait_dma2 semaphore(%arg13 : memref<!tpu.dma_semaphore, #tpu.memory_space<semaphore_mem>>) src(%dma_wait3A_106 : memref<128xi32, #tpu.memory_space<hbm>>) dst(%arg8 : memref<128xi32, #tpu.memory_space<vmem>>)
        %dma_start3A_107 = arith.constant 0 : i32
        %dma_start3A_108 = arith.constant 0 : i32
        %dma_start3A_109 = tpu.memref_slice %arg4[%dma_start3A_107, %dma_start3A_108] : memref<10000x128xf32, #tpu.memory_space<hbm>> -> memref<10000x128xf32, #tpu.memory_space<hbm>>
        tpu.enqueue_indirect_dma source(%dma_start3A_109 : memref<10000x128xf32, #tpu.memory_space<hbm>>) target(%arg10 : memref<128x128xf32, #tpu.memory_space<vmem>>) offsets(%arg6 : memref<128xi32, #tpu.memory_space<vmem>>) semaphore(%arg15 : memref<!tpu.dma_semaphore, #tpu.memory_space<semaphore_mem>>)
      } else {
      }
      %mul3A_76 = arith.constant 2 : i32
      %mul3A_77 = arith.muli %mul3A_76, %scan3A_55 : i32
      %add3A_78 = arith.constant 1 : i32
      %add3A_79 = arith.addi %mul3A_77, %add3A_78 : i32
      %dma_wait3A_80 = arith.constant 0 : i32
      %dma_wait3A_81 = arith.constant 0 : i32
      %dma_wait3A_82 = tpu.memref_slice %arg4[%dma_wait3A_80, %dma_wait3A_81] : memref<10000x128xf32, #tpu.memory_space<hbm>> -> memref<10000x128xf32, #tpu.memory_space<hbm>>
      tpu.wait_indirect_dma semaphore(%arg16 : memref<!tpu.dma_semaphore, #tpu.memory_space<semaphore_mem>>) src(%dma_wait3A_82 : memref<10000x128xf32, #tpu.memory_space<hbm>>) dst(%arg11 : memref<128x128xf32, #tpu.memory_space<vmem>>)
      %add3A_83 = arith.constant 2 : i32
      %add3A_84 = arith.addi %add3A_79, %add3A_83 : i32
      %lt3A_85 = arith.constant 80 : i32
      %lt3A_86 = arith.cmpi slt, %add3A_84, %lt3A_85 : i32
      %convert_element_type3A_87 = arith.extui %lt3A_86 : i1 to i32
      %cond3A_88 = arith.constant 0 : i32
      %cond3A_89 = arith.cmpi ne, %convert_element_type3A_87, %cond3A_88 : i32
      scf.if %cond3A_89 {
        %add3A_97 = arith.constant 2 : i32
        %add3A_98 = arith.addi %add3A_79, %add3A_97 : i32
        %mul3A_99 = arith.constant 128 : i32
        %mul3A_100 = arith.muli %add3A_98, %mul3A_99 : i32
        %add3A_101 = arith.addi %mul3A_2, %mul3A_100 : i32
        %multiple_of3A_102 = tpu.assume_multiple %add3A_101, 128 : i32
        %dma_start3A_103 = tpu.memref_slice %arg2[%multiple_of3A_102] : memref<327680xi32, #tpu.memory_space<hbm>> -> memref<128xi32, #tpu.memory_space<hbm>>
        %dma_start3A_104 = tpu.memref_slice %arg2[%multiple_of3A_102] : memref<327680xi32, #tpu.memory_space<hbm>> -> memref<128xi32, #tpu.memory_space<hbm>>
        tpu.enqueue_dma source(%dma_start3A_104 : memref<128xi32, #tpu.memory_space<hbm>>) target(%arg7 : memref<128xi32, #tpu.memory_space<vmem>>) target_semaphore(%arg14 : memref<!tpu.dma_semaphore, #tpu.memory_space<semaphore_mem>>)
        %dma_start3A_105 = tpu.memref_slice %arg3[%multiple_of3A_102] : memref<327680xi32, #tpu.memory_space<hbm>> -> memref<128xi32, #tpu.memory_space<hbm>>
        %dma_start3A_106 = tpu.memref_slice %arg3[%multiple_of3A_102] : memref<327680xi32, #tpu.memory_space<hbm>> -> memref<128xi32, #tpu.memory_space<hbm>>
        tpu.enqueue_dma source(%dma_start3A_106 : memref<128xi32, #tpu.memory_space<hbm>>) target(%arg9 : memref<128xi32, #tpu.memory_space<vmem>>) target_semaphore(%arg14 : memref<!tpu.dma_semaphore, #tpu.memory_space<semaphore_mem>>)
      } else {
      }
      "tpu.region"() ({
        %run_scoped3A = tpu.sem_alloc : memref<!tpu.dma_semaphore, #tpu.memory_space<semaphore_mem>>
        %dma_start3A_97 = arith.constant 0 : i32
        %dma_start3A_98 = arith.constant 0 : i32
        %dma_start3A_99 = tpu.memref_slice %arg12[%dma_start3A_97, %dma_start3A_98] : memref<10016x128xf32, #tpu.memory_space<vmem_shared>> -> memref<10016x128xf32, #tpu.memory_space<vmem_shared>>
        tpu.enqueue_indirect_dma source(%arg11 : memref<128x128xf32, #tpu.memory_space<vmem>>) target(%dma_start3A_99 : memref<10016x128xf32, #tpu.memory_space<vmem_shared>>) offsets(%arg9 : memref<128xi32, #tpu.memory_space<vmem>>) semaphore(%run_scoped3A : memref<!tpu.dma_semaphore, #tpu.memory_space<semaphore_mem>>) {add = true}
        %dma_wait3A_100 = arith.constant 0 : i32
        %dma_wait3A_101 = arith.constant 0 : i32
        %dma_wait3A_102 = tpu.memref_slice %arg12[%dma_wait3A_100, %dma_wait3A_101] : memref<10016x128xf32, #tpu.memory_space<vmem_shared>> -> memref<10016x128xf32, #tpu.memory_space<vmem_shared>>
        tpu.wait_indirect_dma semaphore(%run_scoped3A : memref<!tpu.dma_semaphore, #tpu.memory_space<semaphore_mem>>) src(%arg11 : memref<128x128xf32, #tpu.memory_space<vmem>>) dst(%dma_wait3A_102 : memref<10016x128xf32, #tpu.memory_space<vmem_shared>>)
        tpu.yield
      }) : () -> ()
      %add3A_90 = arith.constant 2 : i32
      %add3A_91 = arith.addi %add3A_79, %add3A_90 : i32
      %lt3A_92 = arith.constant 80 : i32
      %lt3A_93 = arith.cmpi slt, %add3A_91, %lt3A_92 : i32
      %convert_element_type3A_94 = arith.extui %lt3A_93 : i1 to i32
      %cond3A_95 = arith.constant 0 : i32
      %cond3A_96 = arith.cmpi ne, %convert_element_type3A_94, %cond3A_95 : i32
      scf.if %cond3A_96 {
        %add3A_97 = arith.constant 2 : i32
        %add3A_98 = arith.addi %add3A_79, %add3A_97 : i32
        %mul3A_99 = arith.constant 128 : i32
        %mul3A_100 = arith.muli %add3A_98, %mul3A_99 : i32
        %add3A_101 = arith.addi %mul3A_2, %mul3A_100 : i32
        %multiple_of3A_102 = tpu.assume_multiple %add3A_101, 128 : i32
        %dma_wait3A_103 = tpu.memref_slice %arg2[%multiple_of3A_102] : memref<327680xi32, #tpu.memory_space<hbm>> -> memref<128xi32, #tpu.memory_space<hbm>>
        %dma_wait3A_104 = tpu.memref_slice %arg2[%multiple_of3A_102] : memref<327680xi32, #tpu.memory_space<hbm>> -> memref<128xi32, #tpu.memory_space<hbm>>
        tpu.wait_dma2 semaphore(%arg14 : memref<!tpu.dma_semaphore, #tpu.memory_space<semaphore_mem>>) src(%dma_wait3A_104 : memref<128xi32, #tpu.memory_space<hbm>>) dst(%arg7 : memref<128xi32, #tpu.memory_space<vmem>>)
        %dma_wait3A_105 = tpu.memref_slice %arg3[%multiple_of3A_102] : memref<327680xi32, #tpu.memory_space<hbm>> -> memref<128xi32, #tpu.memory_space<hbm>>
        %dma_wait3A_106 = tpu.memref_slice %arg3[%multiple_of3A_102] : memref<327680xi32, #tpu.memory_space<hbm>> -> memref<128xi32, #tpu.memory_space<hbm>>
        tpu.wait_dma2 semaphore(%arg14 : memref<!tpu.dma_semaphore, #tpu.memory_space<semaphore_mem>>) src(%dma_wait3A_106 : memref<128xi32, #tpu.memory_space<hbm>>) dst(%arg9 : memref<128xi32, #tpu.memory_space<vmem>>)
        %dma_start3A_107 = arith.constant 0 : i32
        %dma_start3A_108 = arith.constant 0 : i32
        %dma_start3A_109 = tpu.memref_slice %arg4[%dma_start3A_107, %dma_start3A_108] : memref<10000x128xf32, #tpu.memory_space<hbm>> -> memref<10000x128xf32, #tpu.memory_space<hbm>>
        tpu.enqueue_indirect_dma source(%dma_start3A_109 : memref<10000x128xf32, #tpu.memory_space<hbm>>) target(%arg11 : memref<128x128xf32, #tpu.memory_space<vmem>>) offsets(%arg7 : memref<128xi32, #tpu.memory_space<vmem>>) semaphore(%arg16 : memref<!tpu.dma_semaphore, #tpu.memory_space<semaphore_mem>>)
      } else {
      }
    }
    %scan3A_44 = arith.constant 40 : i32
    %barrier3A_45 = arith.constant 0 : index
    tpu.barrier barrier_id(%barrier3A_45)
    %mul3A_46 = arith.constant 624 : i32
    %mul3A_47 = arith.muli %arg1, %mul3A_46 : i32
    %mul3A_48 = arith.constant 624 : i32
    %mul3A_49 = arith.muli %arg1, %mul3A_48 : i32
    "tpu.region"() ({
      %run_scoped3A = tpu.sem_alloc : memref<!tpu.dma_semaphore, #tpu.memory_space<semaphore_mem>>
      %dma_start3A_55 = arith.constant 0 : i32
      %dma_start3A_56 = tpu.memref_slice %arg5[%arg0, %mul3A_49, %dma_start3A_55] : memref<2x10000x128xf32, #tpu.memory_space<hbm>> -> memref<1x624x128xf32, #tpu.memory_space<hbm>>
      %dma_start3A_57 = tpu.memref_squeeze %dma_start3A_56 : memref<1x624x128xf32, #tpu.memory_space<hbm>> -> memref<624x128xf32, #tpu.memory_space<hbm>>
      %dma_start3A_58 = arith.constant 0 : i32
      %dma_start3A_59 = tpu.memref_slice %arg12[%mul3A_47, %dma_start3A_58] : memref<10016x128xf32, #tpu.memory_space<vmem_shared>> -> memref<624x128xf32, #tpu.memory_space<vmem_shared>>
      tpu.enqueue_dma source(%dma_start3A_59 : memref<624x128xf32, #tpu.memory_space<vmem_shared>>) target(%dma_start3A_57 : memref<624x128xf32, #tpu.memory_space<hbm>>) target_semaphore(%run_scoped3A : memref<!tpu.dma_semaphore, #tpu.memory_space<semaphore_mem>>)
      %dma_wait3A_60 = arith.constant 0 : i32
      %dma_wait3A_61 = tpu.memref_slice %arg5[%arg0, %mul3A_49, %dma_wait3A_60] : memref<2x10000x128xf32, #tpu.memory_space<hbm>> -> memref<1x624x128xf32, #tpu.memory_space<hbm>>
      %dma_wait3A_62 = tpu.memref_squeeze %dma_wait3A_61 : memref<1x624x128xf32, #tpu.memory_space<hbm>> -> memref<624x128xf32, #tpu.memory_space<hbm>>
      %dma_wait3A_63 = arith.constant 0 : i32
      %dma_wait3A_64 = tpu.memref_slice %arg12[%mul3A_47, %dma_wait3A_63] : memref<10016x128xf32, #tpu.memory_space<vmem_shared>> -> memref<624x128xf32, #tpu.memory_space<vmem_shared>>
      tpu.wait_dma2 semaphore(%run_scoped3A : memref<!tpu.dma_semaphore, #tpu.memory_space<semaphore_mem>>) src(%dma_wait3A_64 : memref<624x128xf32, #tpu.memory_space<vmem_shared>>) dst(%dma_wait3A_62 : memref<624x128xf32, #tpu.memory_space<hbm>>)
      tpu.yield
    }) : () -> ()
    %eq3A_50 = arith.constant 0 : i32
    %eq3A_51 = arith.cmpi eq, %arg1, %eq3A_50 : i32
    %convert_element_type3A_52 = arith.extui %eq3A_51 : i1 to i32
    %cond3A_53 = arith.constant 0 : i32
    %cond3A_54 = arith.cmpi ne, %convert_element_type3A_52, %cond3A_53 : i32
    scf.if %cond3A_54 {
      "tpu.region"() ({
        %run_scoped3A = tpu.sem_alloc : memref<!tpu.dma_semaphore, #tpu.memory_space<semaphore_mem>>
        %dma_start3A_55 = arith.constant 9984 : i32
        %dma_start3A_56 = arith.constant 0 : i32
        %dma_start3A_57 = tpu.memref_slice %arg5[%arg0, %dma_start3A_55, %dma_start3A_56] : memref<2x10000x128xf32, #tpu.memory_space<hbm>> -> memref<1x16x128xf32, #tpu.memory_space<hbm>>
        %dma_start3A_58 = tpu.memref_squeeze %dma_start3A_57 : memref<1x16x128xf32, #tpu.memory_space<hbm>> -> memref<16x128xf32, #tpu.memory_space<hbm>>
        %dma_start3A_59 = arith.constant 9984 : i32
        %dma_start3A_60 = arith.constant 0 : i32
        %dma_start3A_61 = tpu.memref_slice %arg12[%dma_start3A_59, %dma_start3A_60] : memref<10016x128xf32, #tpu.memory_space<vmem_shared>> -> memref<16x128xf32, #tpu.memory_space<vmem_shared>>
        tpu.enqueue_dma source(%dma_start3A_61 : memref<16x128xf32, #tpu.memory_space<vmem_shared>>) target(%dma_start3A_58 : memref<16x128xf32, #tpu.memory_space<hbm>>) target_semaphore(%run_scoped3A : memref<!tpu.dma_semaphore, #tpu.memory_space<semaphore_mem>>)
        %dma_wait3A_62 = arith.constant 9984 : i32
        %dma_wait3A_63 = arith.constant 0 : i32
        %dma_wait3A_64 = tpu.memref_slice %arg5[%arg0, %dma_wait3A_62, %dma_wait3A_63] : memref<2x10000x128xf32, #tpu.memory_space<hbm>> -> memref<1x16x128xf32, #tpu.memory_space<hbm>>
        %dma_wait3A_65 = tpu.memref_squeeze %dma_wait3A_64 : memref<1x16x128xf32, #tpu.memory_space<hbm>> -> memref<16x128xf32, #tpu.memory_space<hbm>>
        %dma_wait3A_66 = arith.constant 9984 : i32
        %dma_wait3A_67 = arith.constant 0 : i32
        %dma_wait3A_68 = tpu.memref_slice %arg12[%dma_wait3A_66, %dma_wait3A_67] : memref<10016x128xf32, #tpu.memory_space<vmem_shared>> -> memref<16x128xf32, #tpu.memory_space<vmem_shared>>
        tpu.wait_dma2 semaphore(%run_scoped3A : memref<!tpu.dma_semaphore, #tpu.memory_space<semaphore_mem>>) src(%dma_wait3A_68 : memref<16x128xf32, #tpu.memory_space<vmem_shared>>) dst(%dma_wait3A_65 : memref<16x128xf32, #tpu.memory_space<hbm>>)
        tpu.yield
      }) : () -> ()
    } else {
    }
    return
  }
}

module attributes {stable_mosaic.version = 14 : i64} {
  func.func @_m1_body(%arg0: i32, %arg1: memref<2000x2xf32, #tpu.memory_space<vmem>>, %arg2: memref<2000x128xf32, #tpu.memory_space<vmem>>, %arg3: memref<128x128xf32, #tpu.memory_space<vmem>>, %arg4: memref<2000x128xf32, #tpu.memory_space<vmem>>, %arg5: memref<2000x1xf32, #tpu.memory_space<vmem>>) attributes {dimension_semantics = [#tpu.dimension_semantics<arbitrary>], iteration_bounds = array<i64: 5>, scalar_prefetch = 0 : i64, scratch_operands = 0 : i64, tpu.core_type = #tpu.core_type<tc>, window_params = [{transform_indices = @transform_0, window_bounds = array<i64: 2000, 2>}, {transform_indices = @transform_1, window_bounds = array<i64: 2000, 128>}, {pipeline_mode = #tpu.pipeline_mode<synchronous>, transform_indices = @transform_2, window_bounds = array<i64: 128, 128>}, {transform_indices = @transform_3, window_bounds = array<i64: 2000, 128>}, {transform_indices = @transform_4, window_bounds = array<i64: 2000, 1>}]} {
    %get3A = arith.constant 0 : index
    %get3A_0 = arith.constant 0 : index
    %get3A_1 = vector.load %arg1[%get3A, %get3A_0] : memref<2000x2xf32, #tpu.memory_space<vmem>>, vector<2000x1xf32>
    %get3A_2 = arith.constant 0 : index
    %get3A_3 = arith.constant 1 : index
    %get3A_4 = vector.load %arg1[%get3A_2, %get3A_3] : memref<2000x2xf32, #tpu.memory_space<vmem>>, vector<2000x1xf32>
    %add3A = arith.addf %get3A_1, %get3A_4 : vector<2000x1xf32>
    %add3A_5 = arith.constant 1.000000e+00 : f32
    %add3A_6 = vector.broadcast %add3A_5 : f32 to vector<2000x1xf32>
    %add3A_7 = arith.addf %add3A, %add3A_6 : vector<2000x1xf32>
    %rsqrt3A = math.rsqrt %add3A_7 : vector<2000x1xf32>
    %swap3A = arith.constant 0 : index
    %swap3A_8 = arith.constant 0 : index
    %swap3A_9 = vector.load %arg5[%swap3A, %swap3A_8] : memref<2000x1xf32, #tpu.memory_space<vmem>>, vector<2000x1xf32>
    tpu.vector_store %arg5[%swap3A, %swap3A_8], %rsqrt3A {strides = array<i32>} : memref<2000x1xf32, #tpu.memory_space<vmem>>, vector<2000x1xf32>,
    %get3A_10 = arith.constant 0 : index
    %get3A_11 = arith.constant 0 : index
    %get3A_12 = vector.load %arg2[%get3A_10, %get3A_11] : memref<2000x128xf32, #tpu.memory_space<vmem>>, vector<2000x128xf32>
    %get3A_13 = arith.constant 0 : index
    %get3A_14 = arith.constant 0 : index
    %get3A_15 = vector.load %arg3[%get3A_13, %get3A_14] : memref<128x128xf32, #tpu.memory_space<vmem>>, vector<128x128xf32>
    %dot_general3A = arith.constant dense<0.000000e+00> : vector<2000x128xf32>
    %dot_general3A_16 = tpu.matmul %get3A_12, %get3A_15, %dot_general3A {dimension_numbers = #tpu.dot_dimension_numbers<[1], [0], [0], [1], [0, 0, 1, 1], [], []>, precision = #tpu.contract_precision<fp32>, transpose_lhs_hint = false} : vector<2000x128xf32>, vector<128x128xf32>, vector<2000x128xf32> -> vector<2000x128xf32>
    %mul3A = vector.broadcast %rsqrt3A : vector<2000x1xf32> to vector<2000x128xf32>
    %mul3A_17 = arith.mulf %dot_general3A_16, %mul3A : vector<2000x128xf32>
    %swap3A_18 = arith.constant 0 : index
    %swap3A_19 = arith.constant 0 : index
    %swap3A_20 = vector.load %arg4[%swap3A_18, %swap3A_19] : memref<2000x128xf32, #tpu.memory_space<vmem>>, vector<2000x128xf32>
    tpu.vector_store %arg4[%swap3A_18, %swap3A_19], %mul3A_17 {strides = array<i32>} : memref<2000x128xf32, #tpu.memory_space<vmem>>, vector<2000x128xf32>,
    return
  }
  func.func @transform_0(%arg0: i32) -> (i32, i32) {
    %c0_i32 = arith.constant 0 : i32
    %c0_i32_0 = arith.constant 0 : i32
    return %arg0, %c0_i32 : i32, i32
  }
  func.func @transform_1(%arg0: i32) -> (i32, i32) {
    %c0_i32 = arith.constant 0 : i32
    %c0_i32_0 = arith.constant 0 : i32
    return %arg0, %c0_i32 : i32, i32
  }
  func.func @transform_2(%arg0: i32) -> (i32, i32) {
    %c0_i32 = arith.constant 0 : i32
    %c0_i32_0 = arith.constant 0 : i32
    %c0_i32_1 = arith.constant 0 : i32
    return %c0_i32, %c0_i32_0 : i32, i32
  }
  func.func @transform_3(%arg0: i32) -> (i32, i32) {
    %c0_i32 = arith.constant 0 : i32
    %c0_i32_0 = arith.constant 0 : i32
    return %arg0, %c0_i32 : i32, i32
  }
  func.func @transform_4(%arg0: i32) -> (i32, i32) {
    %c0_i32 = arith.constant 0 : i32
    %c0_i32_0 = arith.constant 0 : i32
    return %arg0, %c0_i32 : i32, i32
  }
}

module attributes {stable_mosaic.version = 14 : i64} {
  func.func @_m2_body(%arg0: i32, %arg1: memref<2x2000x128xf32, #tpu.memory_space<vmem>>, %arg2: memref<2000x128xf32, #tpu.memory_space<vmem>>, %arg3: memref<2000x1xf32, #tpu.memory_space<vmem>>, %arg4: memref<1x128xf32, #tpu.memory_space<vmem>>, %arg5: memref<128x128xf32, #tpu.memory_space<vmem>>, %arg6: memref<2000x128xf32, #tpu.memory_space<vmem>>) attributes {dimension_semantics = [#tpu.dimension_semantics<arbitrary>], iteration_bounds = array<i64: 5>, scalar_prefetch = 0 : i64, scratch_operands = 0 : i64, tpu.core_type = #tpu.core_type<tc>, window_params = [{transform_indices = @transform_0, window_bounds = array<i64: 2, 2000, 128>}, {transform_indices = @transform_1, window_bounds = array<i64: 2000, 128>}, {transform_indices = @transform_2, window_bounds = array<i64: 2000, 1>}, {pipeline_mode = #tpu.pipeline_mode<synchronous>, transform_indices = @transform_3, window_bounds = array<i64: 1, 128>}, {pipeline_mode = #tpu.pipeline_mode<synchronous>, transform_indices = @transform_4, window_bounds = array<i64: 128, 128>}, {transform_indices = @transform_5, window_bounds = array<i64: 2000, 128>}]} {
    %get3A = arith.constant 0 : index
    %get3A_0 = arith.constant 0 : index
    %get3A_1 = vector.load %arg3[%get3A, %get3A_0] : memref<2000x1xf32, #tpu.memory_space<vmem>>, vector<2000x1xf32>
    %get3A_2 = arith.constant 0 : index
    %get3A_3 = arith.constant 0 : index
    %get3A_4 = arith.constant 0 : index
    %get3A_5 = vector.load %arg1[%get3A_2, %get3A_3, %get3A_4] : memref<2x2000x128xf32, #tpu.memory_space<vmem>>, vector<1x2000x128xf32>
    %get3A_6 = vector.shape_cast %get3A_5 : vector<1x2000x128xf32> to vector<2000x128xf32>
    %get3A_7 = arith.constant 1 : index
    %get3A_8 = arith.constant 0 : index
    %get3A_9 = arith.constant 0 : index
    %get3A_10 = vector.load %arg1[%get3A_7, %get3A_8, %get3A_9] : memref<2x2000x128xf32, #tpu.memory_space<vmem>>, vector<1x2000x128xf32>
    %get3A_11 = vector.shape_cast %get3A_10 : vector<1x2000x128xf32> to vector<2000x128xf32>
    %add3A = arith.addf %get3A_6, %get3A_11 : vector<2000x128xf32>
    %get3A_12 = arith.constant 0 : index
    %get3A_13 = arith.constant 0 : index
    %get3A_14 = vector.load %arg2[%get3A_12, %get3A_13] : memref<2000x128xf32, #tpu.memory_space<vmem>>, vector<2000x128xf32>
    %sub3A = arith.subf %add3A, %get3A_14 : vector<2000x128xf32>
    %mul3A = vector.broadcast %get3A_1 : vector<2000x1xf32> to vector<2000x128xf32>
    %mul3A_15 = arith.mulf %sub3A, %mul3A : vector<2000x128xf32>
    %get3A_16 = arith.constant 0 : index
    %get3A_17 = arith.constant 0 : index
    %get3A_18 = vector.load %arg4[%get3A_16, %get3A_17] : memref<1x128xf32, #tpu.memory_space<vmem>>, vector<1x128xf32>
    %add3A_19 = vector.broadcast %get3A_18 : vector<1x128xf32> to vector<2000x128xf32>
    %add3A_20 = arith.addf %mul3A_15, %add3A_19 : vector<2000x128xf32>
    %max3A = arith.constant 0.000000e+00 : f32
    %max3A_21 = vector.broadcast %max3A : f32 to vector<2000x128xf32>
    %max3A_22 = arith.maximumf %add3A_20, %max3A_21 : vector<2000x128xf32>
    %get3A_23 = arith.constant 0 : index
    %get3A_24 = arith.constant 0 : index
    %get3A_25 = vector.load %arg5[%get3A_23, %get3A_24] : memref<128x128xf32, #tpu.memory_space<vmem>>, vector<128x128xf32>
    %dot_general3A = arith.constant dense<0.000000e+00> : vector<2000x128xf32>
    %dot_general3A_26 = tpu.matmul %max3A_22, %get3A_25, %dot_general3A {dimension_numbers = #tpu.dot_dimension_numbers<[1], [0], [0], [1], [0, 0, 1, 1], [], []>, precision = #tpu.contract_precision<fp32>, transpose_lhs_hint = false} : vector<2000x128xf32>, vector<128x128xf32>, vector<2000x128xf32> -> vector<2000x128xf32>
    %mul3A_27 = vector.broadcast %get3A_1 : vector<2000x1xf32> to vector<2000x128xf32>
    %mul3A_28 = arith.mulf %dot_general3A_26, %mul3A_27 : vector<2000x128xf32>
    %swap3A = arith.constant 0 : index
    %swap3A_29 = arith.constant 0 : index
    %swap3A_30 = vector.load %arg6[%swap3A, %swap3A_29] : memref<2000x128xf32, #tpu.memory_space<vmem>>, vector<2000x128xf32>
    tpu.vector_store %arg6[%swap3A, %swap3A_29], %mul3A_28 {strides = array<i32>} : memref<2000x128xf32, #tpu.memory_space<vmem>>, vector<2000x128xf32>,
    return
  }
  func.func @transform_0(%arg0: i32) -> (i32, i32, i32) {
    %c0_i32 = arith.constant 0 : i32
    %c0_i32_0 = arith.constant 0 : i32
    %c0_i32_1 = arith.constant 0 : i32
    return %c0_i32, %arg0, %c0_i32_0 : i32, i32, i32
  }
  func.func @transform_1(%arg0: i32) -> (i32, i32) {
    %c0_i32 = arith.constant 0 : i32
    %c0_i32_0 = arith.constant 0 : i32
    return %arg0, %c0_i32 : i32, i32
  }
  func.func @transform_2(%arg0: i32) -> (i32, i32) {
    %c0_i32 = arith.constant 0 : i32
    %c0_i32_0 = arith.constant 0 : i32
    return %arg0, %c0_i32 : i32, i32
  }
  func.func @transform_3(%arg0: i32) -> (i32, i32) {
    %c0_i32 = arith.constant 0 : i32
    %c0_i32_0 = arith.constant 0 : i32
    %c0_i32_1 = arith.constant 0 : i32
    return %c0_i32, %c0_i32_0 : i32, i32
  }
  func.func @transform_4(%arg0: i32) -> (i32, i32) {
    %c0_i32 = arith.constant 0 : i32
    %c0_i32_0 = arith.constant 0 : i32
    %c0_i32_1 = arith.constant 0 : i32
    return %c0_i32, %c0_i32_0 : i32, i32
  }
  func.func @transform_5(%arg0: i32) -> (i32, i32) {
    %c0_i32 = arith.constant 0 : i32
    %c0_i32_0 = arith.constant 0 : i32
    return %arg0, %c0_i32 : i32, i32
  }
}

module attributes {stable_mosaic.version = 14 : i64} {
  func.func @_m3_body(%arg0: i32, %arg1: memref<2x2000x128xf32, #tpu.memory_space<vmem>>, %arg2: memref<2000x128xf32, #tpu.memory_space<vmem>>, %arg3: memref<2000x1xf32, #tpu.memory_space<vmem>>, %arg4: memref<1x128xf32, #tpu.memory_space<vmem>>, %arg5: memref<2000x128xf32, #tpu.memory_space<vmem>>) attributes {dimension_semantics = [#tpu.dimension_semantics<arbitrary>], iteration_bounds = array<i64: 5>, scalar_prefetch = 0 : i64, scratch_operands = 0 : i64, tpu.core_type = #tpu.core_type<tc>, window_params = [{transform_indices = @transform_0, window_bounds = array<i64: 2, 2000, 128>}, {transform_indices = @transform_1, window_bounds = array<i64: 2000, 128>}, {transform_indices = @transform_2, window_bounds = array<i64: 2000, 1>}, {pipeline_mode = #tpu.pipeline_mode<synchronous>, transform_indices = @transform_3, window_bounds = array<i64: 1, 128>}, {transform_indices = @transform_4, window_bounds = array<i64: 2000, 128>}]} {
    %get3A = arith.constant 0 : index
    %get3A_0 = arith.constant 0 : index
    %get3A_1 = arith.constant 0 : index
    %get3A_2 = vector.load %arg1[%get3A, %get3A_0, %get3A_1] : memref<2x2000x128xf32, #tpu.memory_space<vmem>>, vector<1x2000x128xf32>
    %get3A_3 = vector.shape_cast %get3A_2 : vector<1x2000x128xf32> to vector<2000x128xf32>
    %get3A_4 = arith.constant 1 : index
    %get3A_5 = arith.constant 0 : index
    %get3A_6 = arith.constant 0 : index
    %get3A_7 = vector.load %arg1[%get3A_4, %get3A_5, %get3A_6] : memref<2x2000x128xf32, #tpu.memory_space<vmem>>, vector<1x2000x128xf32>
    %get3A_8 = vector.shape_cast %get3A_7 : vector<1x2000x128xf32> to vector<2000x128xf32>
    %add3A = arith.addf %get3A_3, %get3A_8 : vector<2000x128xf32>
    %get3A_9 = arith.constant 0 : index
    %get3A_10 = arith.constant 0 : index
    %get3A_11 = vector.load %arg2[%get3A_9, %get3A_10] : memref<2000x128xf32, #tpu.memory_space<vmem>>, vector<2000x128xf32>
    %sub3A = arith.subf %add3A, %get3A_11 : vector<2000x128xf32>
    %get3A_12 = arith.constant 0 : index
    %get3A_13 = arith.constant 0 : index
    %get3A_14 = vector.load %arg3[%get3A_12, %get3A_13] : memref<2000x1xf32, #tpu.memory_space<vmem>>, vector<2000x1xf32>
    %mul3A = vector.broadcast %get3A_14 : vector<2000x1xf32> to vector<2000x128xf32>
    %mul3A_15 = arith.mulf %sub3A, %mul3A : vector<2000x128xf32>
    %get3A_16 = arith.constant 0 : index
    %get3A_17 = arith.constant 0 : index
    %get3A_18 = vector.load %arg4[%get3A_16, %get3A_17] : memref<1x128xf32, #tpu.memory_space<vmem>>, vector<1x128xf32>
    %add3A_19 = vector.broadcast %get3A_18 : vector<1x128xf32> to vector<2000x128xf32>
    %add3A_20 = arith.addf %mul3A_15, %add3A_19 : vector<2000x128xf32>
    %swap3A = arith.constant 0 : index
    %swap3A_21 = arith.constant 0 : index
    %swap3A_22 = vector.load %arg5[%swap3A, %swap3A_21] : memref<2000x128xf32, #tpu.memory_space<vmem>>, vector<2000x128xf32>
    tpu.vector_store %arg5[%swap3A, %swap3A_21], %add3A_20 {strides = array<i32>} : memref<2000x128xf32, #tpu.memory_space<vmem>>, vector<2000x128xf32>,
    return
  }
  func.func @transform_0(%arg0: i32) -> (i32, i32, i32) {
    %c0_i32 = arith.constant 0 : i32
    %c0_i32_0 = arith.constant 0 : i32
    %c0_i32_1 = arith.constant 0 : i32
    return %c0_i32, %arg0, %c0_i32_0 : i32, i32, i32
  }
  func.func @transform_1(%arg0: i32) -> (i32, i32) {
    %c0_i32 = arith.constant 0 : i32
    %c0_i32_0 = arith.constant 0 : i32
    return %arg0, %c0_i32 : i32, i32
  }
  func.func @transform_2(%arg0: i32) -> (i32, i32) {
    %c0_i32 = arith.constant 0 : i32
    %c0_i32_0 = arith.constant 0 : i32
    return %arg0, %c0_i32 : i32, i32
  }
  func.func @transform_3(%arg0: i32) -> (i32, i32) {
    %c0_i32 = arith.constant 0 : i32
    %c0_i32_0 = arith.constant 0 : i32
    %c0_i32_1 = arith.constant 0 : i32
    return %c0_i32, %c0_i32_0 : i32, i32
  }
  func.func @transform_4(%arg0: i32) -> (i32, i32) {
    %c0_i32 = arith.constant 0 : i32
    %c0_i32_0 = arith.constant 0 : i32
    return %arg0, %c0_i32 : i32, i32
  }
}

</mosaic_0001>

<sc_bundles>
// kernel: kernel.11.cloned.1.call-start
scs
__scs_entry_jumppad:
0x0: {  	(pc) =	sbr.rel $0x88, $3  }
0x1: {  	(tag) =	ssettag $0x0;
	lr =	simm.s32 $0x1  }
0x2: {  	[smem:$0x3F99] =	sst lr;
	_ =	strace $0xD0000000  }
0x3: {  	_ = 	snop  }
0x4: {  	_ = 	snop  }
0x5: {  	_ = 	snop  }
0x6: {  	_ = 	snop  }
0x7: {  	_ = 	snop  }
__scs_overlays_trampoline_lowered:
0x8: {  	[smem:$0x3FA8] =	sst s0  }
0x9: {  	[smem:$0x3FA9] =	sst s1  }
0xa: {  	[smem:$0x3FAA] =	sst s2  }
0xb: {  	[smem:$0x3FAB] =	sst s3  }
0xc: {  	[smem:$0x3FAC] =	sst s4  }
0xd: {  	[smem:$0x3FAD] =	sst s5  }
0xe: {  	[smem:$0x3FAE] =	sst s6  }
0xf: {  	[smem:$0x3FAF] =	sst s7  }
0x10: {  	[smem:$0x3FB0] =	sst s8  }
0x11: {  	[smem:$0x3FB1] =	sst s9;
	s0 =	simm.s32 @!p0 $0x0  }
0x12: {  	s1 =	sld [smem:$0x3F97];
	s0 =	simm.s32 @p0 $0x1  }
0x13: {  	[smem:$0x3FB2] =	sst s0;
	s0 =	simm.s32 @!p1 $0x0  }
0x14: {  	s2 =	sld [smem:$0x3F96];
	s0 =	simm.s32 @p1 $0x1  }
0x15: {  	[smem:$0x3FB3] =	sst s0;
	s0 =	simm.s32 @!p2 $0x0  }
0x16: {  	s3 =	sld [smem:$0x3FDB];
	s0 =	simm.s32 @p2 $0x1  }
0x17: {  	s4 =	simm.s32 $0x1BF5;
	[smem:$0x3FB5] =	sst s0  }
0x18: {  	s0 =	sld [smem:$0x3F98];
	_ =	swait.ge [sflag:s4], $0x0  }
0x19: {  	s7 =	sld [smem:$0x3F99]  }
0x1a: {  	s8 =	sadd.s32 $0xFFFFE003, lr  }
0x1b: {  	s9 =	sadd.s32 $0xFFFFFEF7, lr;
	s5 =	simm.s32 $0xFFFFFFFF;
	p2 =	slt.u32 s8, $0xFFFFF086  }
0x1c: {  	p1 =	slt.u32 s9, $0xF7A;
	s5 =	simm.s32 @!p2 $0x0  }
0x1d: {  	s5 =	simm.s32 @p1 $0x1;
	p0 =	seq.s32 s7, s2  }
0x1e: {  	s7 =	smul.u32 @!p0 $0xF7A, s2;
	p2 =	seq.s32 @!p0 s5, $0x0  }
0x1f: {  	s9 =	smul.u32 $0xF7A, s1;
	s8 =	simm.s32 @!p0 $0x1BF5;
	p2 =	por !p2, p0  }
0x20: {  	[sflag:s8] =	ssyncset.s32 @!p0 $0xFFFFF086;
	s6 =	sadd.s32 @!p0 s3, s7;
	s7 =	simm.s32 @!p0 $0x108  }
0x21: {  	s3 =	sadd.s32 s3, s9;
	s6 =	sadd.s32 @!p0 $0x88, s6;
	s7 =	simm.s32 @p2 $0x1082  }
0x22: {  	[simem:s7], [sflag:s8] =	dma.local @!p0 [hbm:s6], $0xF7A  }
0x23: {  	s9 =	sor.u32 $0xD0000000, s2;
	s6 =	simm.s32 $0x108;
	_ =	swait.ge @!p0 [sflag:s8], $0x0  }
0x24: {  	s3 =	sadd.s32 $0x88, s3;
	s6 =	simm.s32 @!p1 $0x1082;
	[sflag:s4] =	ssyncset.s32 $0xFFFFF086  }
0x25: {  	[simem:s6], [sflag:s4] =	dma.local [hbm:s3], $0xF7A  }
0x26: {  	[smem:$0x3F99] =	sst s1;
	(tag) =	ssettag s2;
	_ =	strace s9  }
0x27: {  	s1 =	sld [smem:$0x3FA9]  }
0x28: {  	s2 =	sld [smem:$0x3FAA]  }
0x29: {  	s4 =	sld [smem:$0x3FAC]  }
0x2a: {  	p0 =	seq.s32 s5, $0x0;
	s5 =	sld [smem:$0x3FAD]  }
0x2b: {  	s6 =	sld [smem:$0x3FAE]  }
0x2c: {  	s7 =	sld [smem:$0x3FAF]  }
0x2d: {  	s3 =	simm.s32 $0x108;
	s8 =	sld [smem:$0x3FB0]  }
0x2e: {  	s3 =	simm.s32 @!p0 $0x1082;
	s9 =	sld [smem:$0x3FB1]  }
0x2f: {  	lr =	sadd.s32 s0, s3;
	s0 =	sld [smem:$0x3FA8]  }
0x30: {  	s3 =	sld [smem:$0x3FAB]  }
0x31: {  	[smem:$0x3FB4] =	sst s10  }
0x32: {  	s10 =	sld [smem:$0x3FB2];
	_ =	sdelay $0x3  }
0x33: {  	p0 =	seq.s32 s10, $0x1;
	s10 =	sld [smem:$0x3FB4];
	_ =	sdelay $0x3  }
0x34: {  	[smem:$0x3FB4] =	sst s10  }
0x35: {  	s10 =	sld [smem:$0x3FB3];
	_ =	sdelay $0x3  }
0x36: {  	p1 =	seq.s32 s10, $0x1;
	s10 =	sld [smem:$0x3FB4];
	_ =	sdelay $0x3  }
0x37: {  	[smem:$0x3FB4] =	sst s10  }
0x38: {  	s10 =	sld [smem:$0x3FB5]  }
0x39: {  	_ = 	snop;
	(pc) =	sbr.ind lr, $3  }
0x3a: {  	_ = 	snop  }
0x3b: {  	_ = 	snop  }
0x3c: {  	p2 =	seq.s32 s10, $0x1;
	s10 =	sld [smem:$0x3FB4]  }
0x3d: {  	_ =	shalt  }
0x3e: {  	_ =	shalt  }
0x3f: {  	_ =	shalt  }
0x40: {  	_ =	shalt  }
0x41: {  	_ =	shalt  }
0x42: {  	_ =	shalt  }
0x43: {  	_ =	shalt  }
0x44: {  	_ =	shalt  }
0x45: {  	_ =	shalt  }
0x46: {  	_ =	shalt  }
0x47: {  	_ =	shalt  }
0x48: {  	_ =	shalt  }
0x49: {  	_ =	shalt  }
0x4a: {  	_ =	shalt  }
0x4b: {  	_ =	shalt  }
0x4c: {  	_ =	shalt  }
0x4d: {  	_ =	shalt  }
0x4e: {  	_ =	shalt  }
0x4f: {  	_ =	shalt  }
0x50: {  	_ =	shalt  }
0x51: {  	_ =	shalt  }
0x52: {  	_ =	shalt  }
0x53: {  	_ =	shalt  }
0x54: {  	_ =	shalt  }
0x55: {  	_ =	shalt  }
0x56: {  	_ =	shalt  }
0x57: {  	_ =	shalt  }
0x58: {  	_ =	shalt  }
0x59: {  	_ =	shalt  }
0x5a: {  	_ =	shalt  }
0x5b: {  	_ =	shalt  }
0x5c: {  	_ =	shalt  }
0x5d: {  	_ =	shalt  }
0x5e: {  	_ =	shalt  }
0x5f: {  	_ =	shalt  }
0x60: {  	_ =	shalt  }
0x61: {  	_ =	shalt  }
0x62: {  	_ =	shalt  }
0x63: {  	_ =	shalt  }
0x64: {  	_ =	shalt  }
0x65: {  	_ =	shalt  }
0x66: {  	_ =	shalt  }
0x67: {  	_ =	shalt  }
0x68: {  	_ =	shalt  }
0x69: {  	_ =	shalt  }
0x6a: {  	_ =	shalt  }
0x6b: {  	_ =	shalt  }
0x6c: {  	_ =	shalt  }
0x6d: {  	_ =	shalt  }
0x6e: {  	_ =	shalt  }
0x6f: {  	_ =	shalt  }
0x70: {  	_ =	shalt  }
0x71: {  	_ =	shalt  }
0x72: {  	_ =	shalt  }
0x73: {  	_ =	shalt  }
0x74: {  	_ =	shalt  }
0x75: {  	_ =	shalt  }
0x76: {  	_ =	shalt  }
0x77: {  	_ =	shalt  }
0x78: {  	_ =	shalt  }
0x79: {  	_ =	shalt  }
0x7a: {  	_ =	shalt  }
0x7b: {  	_ =	shalt  }
0x7c: {  	_ =	shalt  }
0x7d: {  	_ =	shalt  }
0x7e: {  	_ =	shalt  }
0x7f: {  	_ =	shalt  }
0x80: {  	_ =	shalt  }
0x81: {  	_ =	shalt  }
0x82: {  	_ =	shalt  }
0x83: {  	_ =	shalt  }
0x84: {  	_ =	shalt  }
0x85: {  	_ =	shalt  }
0x86: {  	_ =	shalt  }
0x87: {  	_ =	shalt  }
.Lfunc_end0:
.L_simem_size_0:
called_computation.1_lowered:
.L_overlay_start_0:
0x88: {  	s2 =	sld [smem:$0x3FD9]  }
0x89: {  	s3 =	sld [smem:$0x3FFE];
	_ =	sdelay $0x1  }
0x8a: {  	s1 =	srdreg.scid  }
0x8b: {  	s0 =	sand.u32 $0x1, s1  }
0x8c: {  	s14 =	sshll.u32 s0, $0xA;
	s2 =	sadd.s32 s3, s2  }
0x8d: {  	s2 =	sadd.s32 s2, s14  }
0x8e: {  	[smem:$0x3FC0] =	sst s2  }
0x8f: {  	_ = 	snop  }
0x90: {  	s2 =	sld [smem:$0x3FD0];
	_ =	sdelay $0x2  }
0x91: {  	s15 =	simm.s32 $0xA;
	s4 =	simm.s32 $0x10  }
0x92: {  	[smem:s4], [sflag:s15] =	dma.local [hbm:s2], $0x1  }
0x93: {  	_ =	swait.eq [sflag:s15], $0x1  }
0x94: {  	[sflag:s15] =	ssyncset.done $0x0  }
0x95: {  	s16 =	sld [smem:$0x10];
	[sflag:s15] =	ssyncadd.s32 $0xFFFFFFFF  }
0x96: {  	s17 =	sld [smem:$0x11];
	(tm) =	ssettm $0x1  }
0x97: {  	s18 =	sld [smem:$0x3FFB];
	_ =	sdelay $0x3  }
0x98: {  	_ =	strace s18  }
0x99: {  	s4 =	sld [smem:$0x3FFC];
	_ =	sdelay $0x3  }
0x9a: {  	_ =	strace s4  }
0x9b: {  	s4 =	sld [smem:$0x3FFD];
	_ =	sdelay $0x3  }
0x9c: {  	_ =	strace s4  }
0x9d: {  	_ =	strace $0x8FFFFFFF  }
0x9e: {  	s19 =	sld [smem:$0x3FDB];
	_ =	sdelay $0x1  }
0x9f: {  	s5 =	simm.s32 $_scs_section_size  }
0xa0: {  	s6 =	simm.s32 $_size__tile_overlayer_lowered;
	s7 =	simm.s32 $_tile_overlayer_lowered  }
0xa1: {  	s22 =	simm.s32 $0x1BFF;
	s21 =	sshll.u32 s7, $0x1;
	s4 =	sadd.s32 s5, s19  }
0xa2: {  	s8 =	simm.s32 $0x0;
	s20 =	sshll.u32 s6, $0x1;
	s6 =	sadd.s32 s21, s4  }
0xa3: {  	[timem:s8], [sflag:s22] =	dma.local [hbm:s6], s20  }
0xa4: {  	_ =	swait.ge [sflag:s22], s20  }
0xa5: {  	s5 =	ssub.s32 $0x0, s20;
	[sflag:s22] =	ssyncset.done $0x0  }
0xa6: {  	[sflag:s22] =	ssyncadd.s32 s5;
	_ =	sdelay $0x1  }
0xa7: {  	s23 =	simm.s32 $0x1B8B  }
0xa8: {  	_ =	swait.ge [sflag:s23], $0x1  }
0xa9: {  	[sflag:s23] =	ssyncset.done $0x0  }
0xaa: {  	s25 =	simm.s32 $0x1B8E;
	s24 =	sld [smem:$0x3FFE];
	[sflag:s23] =	ssyncadd.s32 $0xFFFFFFFF  }
0xab: {  	s26 =	simm.s32 $execute0_lowered;
	[smem:$0x3FD2] =	sst s25  }
0xac: {  	s6 =	sshll.u32 s26, $0x1;
	_ =	strace $0x80000049;
	[dreg:$0x1] =	wrdreg $0xFFFFFFFF  }
0xad: {  	s28 =	simm.s32 $_size_execute0_lowered;
	s4 =	sadd.s32 s4, s6;
	[dreg:$0x0] =	wrdreg $0x0  }
0xae: {  	s6 =	sshll.u32 s28, $0x1;
	[dreg:$0x2] =	wrdreg s4  }
0xaf: {  	[dreg:$0x3] =	wrdreg s6  }
0xb0: {  	[dreg:$0x4] =	wrdreg $0xC0  }
0xb1: {  	_ =	task [dreg:s8], $0x5FFFF  }
0xb2: {  	[dreg:$0x1] =	wrdreg $0xFFFFFFFF  }
0xb3: {  	[dreg:$0x0] =	wrdreg $0x60  }
0xb4: {  	[dreg:$0x2] =	wrdreg s17  }
0xb5: {  	[dreg:$0x3] =	wrdreg s16  }
0xb6: {  	[dreg:$0x4] =	wrdreg s24  }
0xb7: {  	[dreg:$0x5] =	wrdreg $0x82000  }
0xb8: {  	[dreg:$0x6] =	wrdreg $0x9  }
0xb9: {  	_ =	task.clear_ibuf [dreg:s8], $0x7FFFF;
	_ =	strace $0x90000049  }
0xba: {  	s29 =	simm.s32 $0x9;
	_ =	strace $0x8000004B  }
0xbb: {  	_ =	swait.ge [sflag:s29], $0x1  }
0xbc: {  	[sflag:s29] =	ssyncadd.s32 $0xFFFFFFFF  }
0xbd: {  	_ =	strace $0x9000004B  }
0xbe: {  	_ =	sfence  }
0xbf: {  	s30 =	sld [smem:$0x0];
	_ =	sdelay $0x2  }
0xc0: {  	s31 =	sshll.u32 s1, $0xD;
	s1 =	sshrl.u32 s1, $0x2  }
0xc1: {  	s3 =	sand.u32 $0x4000, s31;
	s1 =	sadd.s32 s1, s30  }
0xc2: {  	s0 =	sor.u32 s3, s0;
	s1 =	sshll.u32 s1, $0x11  }
0xc3: {  	s0 =	sor.u32 s1, s0  }
0xc4: {  	s0 =	sadd.s32 $0x8F2B, s0  }
0xc5: {  	[sflag:s0] =	ssyncadd.remote.s32 $0x1  }
0xc6: {  	_ =	sfence.sel $0xFFFF  }
0xc7: {  	[dreg:$0x0] =	wrdreg $0xFFFFFFFF;
	(pc) =	sbr.abs _section_cstart, $3  }
0xc8: {  	[dreg:$0x1] =	wrdreg $0xFFFFFFFF  }
0xc9: {  	_ =	task.clear_ibuf [dreg:s8], $0x2FFFF;
	_ =	strace $0x9FFFFFFF  }
0xca: {  	(tm) =	ssettm $0x7FFFFFFF  }
0xcb: {  	_ =	shalt  }
tec
execute0_lowered:
.L_overlay_start_1:
0x0: {  	(tag) =	ssettag $0x1  }
0x1: {  	s0 =	rddreg [dreg:$0x0]  }
0x2: {  	s4 =	rddreg [dreg:$0x1]  }
0x3: {  	s5 =	rddreg [dreg:$0x2]  }
0x4: {  	s1 =	rddreg [dreg:$0x3];
	s2 =	simm.s32 $0x0;
	s6 =	srdreg.scid  }
0x5: {  	s20 =	stileid.u32;
	s28 =	simm.s32 $0x4200;
	s29 =	simm.s32 $0x3  }
0x6: {  	s30 =	simm.s32 $0x4;
	s31 =	simm.s32 $0x0;
	[smem:$0x7FF] =	sst s2  }
0x7: {  	s3 =	sadd.s32 $0x2C00, s5;
	s11 =	sand.u32 $0x1, s6;
	s8 =	smul.u32 $0x4E000, s20  }
0x8: {  	s7 =	sshll.u32 s20, $0x1;
	s13 =	smul.u32 $0x13800, s20;
	s14 =	sadd.s32 $0x29E00, s5  }
0x9: {  	s21 =	sshll.u32 s20, $0x6;
	s23 =	sadd.s32 $0x138000, s1;
	s5 =	sadd.s32 $0x29C00, s5  }
0xa: {  	s24 =	smul.u32 $0x5000, s20;
	p0 =	sne.s32 s20, $0x0;
	s20 =	simm.s32 $0x5  }
0xb: {  	_ =	strace $0x8000004A;
	s6 =	ssub.s32 $0x2, s11;
	[dreg:$0x7] =	wrdreg s23  }
0xc: {  	s7 =	sor.u32 s11, s7;
	s16 =	smul.u32 $0x138800, s11;
	[dreg:$0x8] =	wrdreg s5  }
0xd: {  	s23 =	simm.s32 $0x80;
	s9 =	sshrl.u32 s6, $0x1;
	s18 =	sshrl.u32 s8, $0x2  }
0xe: {  	s19 =	sshrl.u32 s13, $0x3;
	s15 =	ssub.s32 s6, s9;
	s6 =	sadd.s32 s18, s1  }
0xf: {  	s17 =	smul.u32 $0x2800, s7;
	s22 =	sadd.s32 s3, s19;
	[dreg:$0x5] =	wrdreg s6  }
0x10: {  	s13 =	sadd.s32 s13, s16;
	s16 =	sshrl.u32 s16, $0x3;
	[dreg:$0x6] =	wrdreg s22  }
0x11: {  	s6 =	sor.u32 $0x1C05, s21;
	s12 =	sshrl.u32 s17, $0x3;
	s17 =	smul.u32 $0x2800, s11  }
0x12: {  	s13 =	sshrl.u32 s13, $0x3;
	s15 =	smax.u32 s15, $0x1;
	s21 =	simm.s32 $0x100  }
0x13: {  	s22 =	simm.s32 $0x1;
	s9 =	sadd.s32 s0, s12;
	s10 =	sadd.s32 s4, s12  }
0x14: {  	s12 =	sor.u32 $0x10, s12;
	s13 =	sadd.s32 s14, s13;
	s14 =	sadd.s32 s14, s16  }
0x15: {  	s11 =	sadd.s32 s0, s12;
	s12 =	sadd.s32 s4, s12;
	s5 =	sadd.s32 s17, s24  }
0x16: {  	s14 =	sadd.s32 $0x27000, s14;
	s25 =	sor.u32 $0x180, s5;
	s5 =	sor.u32 $0x100, s5  }
0x17: {  	s24 =	simm.s32 $0x200;
	s26 =	sshrl.u32 s25, $0x3;
	s5 =	sshrl.u32 s5, $0x3  }
0x18: {  	s25 =	simm.s32 $0x180;
	s16 =	sadd.s32 s26, s4;
	s17 =	sadd.s32 s26, s0  }
0x19: {  	s18 =	sadd.s32 s5, s4;
	s19 =	sadd.s32 s5, s0;
	s26 =	simm.s32 $0x2  }
.LBB2_1:
0x1a: {  	s0 =	rddreg [dreg:$0x5]  }
0x1b: {  	s4 =	rddreg [dreg:$0x6];
	s0 =	sshrl.u32 s0, $0x3  }
0x1c: {  	[spmem:s0], [sflag:s6] =	dma.local [hbm:s4], $0x2700  }
0x1d: {  	_ =	swait.ge [sflag:s20], $0x2700  }
0x1e: {  	[sflag:s20] =	ssyncset.done $0x0;
	s4 =	rddreg [dreg:$0x7]  }
0x1f: {  	s5 =	rddreg [dreg:$0x8];
	[sflag:s20] =	ssyncadd.s32 $0xFFFFD900;
	s4 =	sshrl.u32 @!p0 s4, $0x3  }
0x20: {  	[spmem:s4], [sflag:s6] =	dma.local @!p0 [hbm:s5], $0x100  }
0x21: {  	s5 =	simm.s32 @!p0 $0x5  }
0x22: {  	_ =	swait.ge @!p0 [sflag:s5], $0x100  }
0x23: {  	[sflag:s5] =	ssyncset.done @!p0 $0x0  }
0x24: {  	[sflag:s5] =	ssyncadd.s32 @!p0 $0xFFFFFF00  }
0x25: {  	[bflag:$0x0] =	sbarrier.arrive $0xFFFF  }
0x26: {  	[tilespmem:s2], [sflag:$0x1] =	stream.linear.gather [hbm4b:s9+s2], $0x80, $0x38;
	[tilespmem:$0x1BB00] =	vst v63  }
0x27: {  	_ = 	snop  }
0x28: {  	[tilespmem:s21], [sflag:$0x1] =	stream.linear.gather [hbm4b:s10+s2], $0x80, $0x38;
	[tilespmem:$0x1BB00] =	vst v63  }
0x29: {  	_ =	swait.ge [sflag:s22], $0x80  }
0x2a: {  	[sflag:s22] =	ssyncset.done $0x0  }
0x2b: {  	[sflag:s22] =	ssyncadd.s32 $0xFFFFFF80  }
0x2c: {  	_ =	swait.ge [sflag:s22], $0x80  }
0x2d: {  	[sflag:s22] =	ssyncset.done $0x0  }
0x2e: {  	[sflag:s22] =	ssyncadd.s32 $0xFFFFFF80  }
0x2f: {  	[tilespmem:s24], [sflag:$0x3] =	stream.indirect.gather [hbm4b:s3+s23], $0x80, s2, s23, $0xb8;
	[tilespmem:$0x1BB00] =	vst v63  }
0x30: {  	_ = 	snop  }
0x31: {  	[tilespmem:s23], [sflag:$0x2] =	stream.linear.gather [hbm4b:s11+s2], $0x80, $0x38;
	[tilespmem:$0x1BB00] =	vst v63  }
0x32: {  	_ = 	snop  }
0x33: {  	[tilespmem:s25], [sflag:$0x2] =	stream.linear.gather [hbm4b:s12+s2], $0x80, $0x38;
	[tilespmem:$0x1BB00] =	vst v63  }
0x34: {  	_ =	swait.ge [sflag:s26], $0x80  }
0x35: {  	[sflag:s26] =	ssyncset.done $0x0  }
0x36: {  	[sflag:s26] =	ssyncadd.s32 $0xFFFFFF80  }
0x37: {  	_ =	swait.ge [sflag:s26], $0x80  }
0x38: {  	[sflag:s26] =	ssyncset.done $0x0  }
0x39: {  	[sflag:s26] =	ssyncadd.s32 $0xFFFFFF80  }
0x3a: {  	[tilespmem:s28], [sflag:$0x4] =	stream.indirect.gather [hbm4b:s3+s23], $0x80, s23, s23, $0xb8;
	[tilespmem:$0x1BB00] =	vst v63  }
0x3b: {  	_ =	swait.ge [sflag:s29], $0x4000  }
0x3c: {  	[sflag:s29] =	ssyncset.done $0x0  }
0x3d: {  	s7 =	sadd.s32 $0x0, s19;
	[sflag:s29] =	ssyncadd.s32 $0xFFFFC000  }
0x3e: {  	[tilespmem:s2], [sflag:$0x1] =	stream.linear.gather [hbm4b:s7+s2], $0x80, $0x38;
	[tilespmem:$0x1BB00] =	vst v63  }
0x3f: {  	s8 =	sadd.s32 $0x0, s18  }
0x40: {  	[tilespmem:s21], [sflag:$0x1] =	stream.linear.gather [hbm4b:s8+s2], $0x80, $0x38;
	[tilespmem:$0x1BB00] =	vst v63  }
0x41: {  	_ = 	snop  }
0x42: {  	[spmem:s1] =	stream.indirect.scatter.add.f32 [tilespmem:s24], [sflag:$0x5], $0x80, s21, s23, $0xb8;
	[tilespmem:$0x1BB00] =	vst v63  }
0x43: {  	_ =	swait.ge [sflag:s20], $0x4000  }
0x44: {  	[sflag:s20] =	ssyncset.done $0x0  }
0x45: {  	[sflag:s20] =	ssyncadd.s32 $0xFFFFC000  }
0x46: {  	_ =	swait.ge [sflag:s22], $0x80  }
0x47: {  	[sflag:s22] =	ssyncset.done $0x0  }
0x48: {  	[sflag:s22] =	ssyncadd.s32 $0xFFFFFF80  }
0x49: {  	_ =	swait.ge [sflag:s22], $0x80  }
0x4a: {  	[sflag:s22] =	ssyncset.done $0x0  }
0x4b: {  	[sflag:s22] =	ssyncadd.s32 $0xFFFFFF80  }
0x4c: {  	[tilespmem:s24], [sflag:$0x3] =	stream.indirect.gather [hbm4b:s3+s23], $0x80, s2, s23, $0xb8;
	[tilespmem:$0x1BB00] =	vst v63  }
0x4d: {  	_ =	swait.ge [sflag:s30], $0x4000  }
0x4e: {  	[sflag:s30] =	ssyncset.done $0x0  }
0x4f: {  	s7 =	sadd.s32 $0x0, s17;
	[sflag:s30] =	ssyncadd.s32 $0xFFFFC000  }
0x50: {  	[tilespmem:s23], [sflag:$0x2] =	stream.linear.gather [hbm4b:s7+s2], $0x80, $0x38;
	[tilespmem:$0x1BB00] =	vst v63  }
0x51: {  	s8 =	sadd.s32 $0x0, s16  }
0x52: {  	[tilespmem:s25], [sflag:$0x2] =	stream.linear.gather [hbm4b:s8+s2], $0x80, $0x38;
	[tilespmem:$0x1BB00] =	vst v63  }
0x53: {  	_ = 	snop  }
0x54: {  	[spmem:s1] =	stream.indirect.scatter.add.f32 [tilespmem:s28], [sflag:$0x5], $0x80, s25, s23, $0xb8;
	[tilespmem:$0x1BB00] =	vst v63  }
0x55: {  	_ =	swait.ge [sflag:s20], $0x4000  }
0x56: {  	[sflag:s20] =	ssyncset.done $0x0  }
0x57: {  	[sflag:s20] =	ssyncadd.s32 $0xFFFFC000  }
0x58: {  	_ =	swait.ge [sflag:s26], $0x80  }
0x59: {  	[sflag:s26] =	ssyncset.done $0x0  }
0x5a: {  	[sflag:s26] =	ssyncadd.s32 $0xFFFFFF80  }
0x5b: {  	_ =	swait.ge [sflag:s26], $0x80  }
0x5c: {  	[sflag:s26] =	ssyncset.done $0x0  }
0x5d: {  	s5 =	simm.s32 $0x20;
	[sflag:s26] =	ssyncadd.s32 $0xFFFFFF80  }
.LBB2_2:
0x5e: {  	[tilespmem:s28], [sflag:$0x4] =	stream.indirect.gather [hbm4b:s3+s23], $0x80, s23, s23, $0xb8;
	[tilespmem:$0x1BB00] =	vst v63  }
0x5f: {  	s7 =	smov.u32 s5  }
0x60: {  	p1 =	sne.s32 s5, $0x4C0;
	s5 =	sadd.s32 $0x20, s5;
	_ =	swait.ge [sflag:s29], $0x4000  }
0x61: {  	[sflag:s29] =	ssyncset.done $0x0  }
0x62: {  	s8 =	sadd.s32 s7, s19;
	[sflag:s29] =	ssyncadd.s32 $0xFFFFC000  }
0x63: {  	[tilespmem:s2], [sflag:$0x1] =	stream.linear.gather [hbm4b:s8+s2], $0x80, $0x38;
	[tilespmem:$0x1BB00] =	vst v63  }
0x64: {  	s8 =	sadd.s32 s7, s18  }
0x65: {  	[tilespmem:s21], [sflag:$0x1] =	stream.linear.gather [hbm4b:s8+s2], $0x80, $0x38;
	[tilespmem:$0x1BB00] =	vst v63  }
0x66: {  	_ = 	snop  }
0x67: {  	[spmem:s1] =	stream.indirect.scatter.add.f32 [tilespmem:s24], [sflag:$0x5], $0x80, s21, s23, $0xb8;
	[tilespmem:$0x1BB00] =	vst v63  }
0x68: {  	_ =	swait.ge [sflag:s20], $0x4000  }
0x69: {  	[sflag:s20] =	ssyncset.done $0x0  }
0x6a: {  	[sflag:s20] =	ssyncadd.s32 $0xFFFFC000  }
0x6b: {  	_ =	swait.ge [sflag:s22], $0x80  }
0x6c: {  	[sflag:s22] =	ssyncset.done $0x0  }
0x6d: {  	[sflag:s22] =	ssyncadd.s32 $0xFFFFFF80  }
0x6e: {  	_ =	swait.ge [sflag:s22], $0x80  }
0x6f: {  	[sflag:s22] =	ssyncset.done $0x0  }
0x70: {  	[sflag:s22] =	ssyncadd.s32 $0xFFFFFF80  }
0x71: {  	[tilespmem:s24], [sflag:$0x3] =	stream.indirect.gather [hbm4b:s3+s23], $0x80, s2, s23, $0xb8;
	[tilespmem:$0x1BB00] =	vst v63  }
0x72: {  	_ =	swait.ge [sflag:s30], $0x4000  }
0x73: {  	[sflag:s30] =	ssyncset.done $0x0  }
0x74: {  	s8 =	sadd.s32 s7, s17;
	[sflag:s30] =	ssyncadd.s32 $0xFFFFC000  }
0x75: {  	[tilespmem:s23], [sflag:$0x2] =	stream.linear.gather [hbm4b:s8+s2], $0x80, $0x38;
	[tilespmem:$0x1BB00] =	vst v63  }
0x76: {  	s7 =	sadd.s32 s7, s16  }
0x77: {  	[tilespmem:s25], [sflag:$0x2] =	stream.linear.gather [hbm4b:s7+s2], $0x80, $0x38;
	[tilespmem:$0x1BB00] =	vst v63  }
0x78: {  	_ = 	snop  }
0x79: {  	[spmem:s1] =	stream.indirect.scatter.add.f32 [tilespmem:s28], [sflag:$0x5], $0x80, s25, s23, $0xb8;
	[tilespmem:$0x1BB00] =	vst v63  }
0x7a: {  	_ =	swait.ge [sflag:s20], $0x4000  }
0x7b: {  	[sflag:s20] =	ssyncset.done $0x0  }
0x7c: {  	[sflag:s20] =	ssyncadd.s32 $0xFFFFC000  }
0x7d: {  	_ =	swait.ge [sflag:s26], $0x80  }
.Ltmp0:
0x7e: {  	[sflag:s26] =	ssyncset.done $0x0;
	(pc) =	sbr.rel @p1 .LBB2_2-.Ltmp0, $4  }
0x7f: {  	[sflag:s26] =	ssyncadd.s32 $0xFFFFFF80  }
0x80: {  	_ =	swait.ge [sflag:s26], $0x80  }
0x81: {  	[sflag:s26] =	ssyncset.done $0x0  }
0x82: {  	[sflag:s26] =	ssyncadd.s32 $0xFFFFFF80  }
0x83: {  	[tilespmem:s28], [sflag:$0x4] =	stream.indirect.gather [hbm4b:s3+s23], $0x80, s23, s23, $0xb8;
	[tilespmem:$0x1BB00] =	vst v63  }
0x84: {  	_ =	swait.ge [sflag:s29], $0x4000  }
0x85: {  	[sflag:s29] =	ssyncset.done $0x0  }
0x86: {  	[sflag:s29] =	ssyncadd.s32 $0xFFFFC000  }
0x87: {  	[spmem:s1] =	stream.indirect.scatter.add.f32 [tilespmem:s24], [sflag:$0x5], $0x80, s21, s23, $0xb8;
	[tilespmem:$0x1BB00] =	vst v63  }
0x88: {  	_ =	swait.ge [sflag:s20], $0x4000  }
0x89: {  	[sflag:s20] =	ssyncset.done $0x0  }
0x8a: {  	[sflag:s20] =	ssyncadd.s32 $0xFFFFC000  }
0x8b: {  	_ =	swait.ge [sflag:s30], $0x4000  }
0x8c: {  	[sflag:s30] =	ssyncset.done $0x0  }
0x8d: {  	[sflag:s30] =	ssyncadd.s32 $0xFFFFC000  }
0x8e: {  	[spmem:s1] =	stream.indirect.scatter.add.f32 [tilespmem:s28], [sflag:$0x5], $0x80, s25, s23, $0xb8;
	[tilespmem:$0x1BB00] =	vst v63  }
0x8f: {  	_ =	swait.ge [sflag:s20], $0x4000  }
0x90: {  	[sflag:s20] =	ssyncset.done $0x0  }
0x91: {  	[sflag:s20] =	ssyncadd.s32 $0xFFFFC000  }
0x92: {  	[bflag:$0x0] =	sbarrier.arrive $0xFFFF  }
0x93: {  	[hbm:s13], [sflag:s6] =	dma.local [spmem:s0], $0x2700  }
0x94: {  	s31 =	sadd.s32 $0x1, s31;
	_ =	swait.ge [sflag:s20], $0x2700  }
0x95: {  	p1 =	sne.s32 s31, s15;
	[sflag:s20] =	ssyncset.done $0x0  }
.Ltmp1:
0x96: {  	s0 =	simm.s32 @!p0 $0x5;
	[sflag:s20] =	ssyncadd.s32 $0xFFFFD900;
	(pc) =	sbr.rel @p1 .LBB2_1-.Ltmp1, $4  }
0x97: {  	[hbm:s14], [sflag:s6] =	dma.local @!p0 [spmem:s4], $0x100  }
0x98: {  	_ =	swait.ge @!p0 [sflag:s0], $0x100  }
0x99: {  	[sflag:s0] =	ssyncset.done @!p0 $0x0  }
0x9a: {  	[sflag:s0] =	ssyncadd.s32 @!p0 $0xFFFFFF00  }
0x9b: {  	_ =	sfence.sel $0x180000  }
0x9c: {  	[bflag:$0x0] =	sbarrier.arrive $0xFFFF  }
0x9d: {  	_ =	strace $0x9000004A  }
0x9e: {  	[bflag:$0x2] =	sbarrier.arrive $0xFFFF  }
0x9f: {  	s0 =	rddreg [dreg:$0x4]  }
0xa0: {  	s0 =	sadd.s32 @!p0 $0x100000, s0  }
0xa1: {  	[sflag:s0] =	ssyncadd.tile.s32 @!p0 $0x1;
	_ =	shalt  }
.Lfunc_end2:
_tile_overlayer_lowered:
.L_overlay_start_2:
0xa2: {  	(tag) =	ssettag $0x2  }
0xa3: {  	s0 =	rddreg [dreg:$0x0];
	s2 =	stileid.u32  }
0xa4: {  	s1 =	rddreg [dreg:$0x1];
	p0 =	sne.s32 s2, $0x0  }
0xa5: {  	s3 =	rddreg [dreg:$0x2];
	[bflag:$0x3] =	sbarrier.arrive $0xFFFF;
	s2 =	simm.s32 @!p0 $0x1C05  }
0xa6: {  	[timem:s3], [sflag:s2] =	dma.local @!p0 [hbm:s0], s1  }
0xa7: {  	s0 =	simm.s32 @!p0 $0x5  }
0xa8: {  	_ =	swait.ge @!p0 [sflag:s0], s1  }
0xa9: {  	s1 =	ssub.s32 @!p0 $0x0, s1;
	[sflag:s0] =	ssyncset.done @!p0 $0x0  }
0xaa: {  	[sflag:s0] =	ssyncadd.s32 @!p0 s1  }
0xab: {  	[bflag:$0x3] =	sbarrier.arrive $0xFFFF  }
0xac: {  	_ =	shalt  }

// kernel: kernel.14.cloned.1.call-start
scs
__scs_entry_jumppad:
0x0: {  	(pc) =	sbr.rel $0x88, $3  }
0x1: {  	(tag) =	ssettag $0x0;
	lr =	simm.s32 $0x1  }
0x2: {  	[smem:$0x3F99] =	sst lr;
	_ =	strace $0xD0000000  }
0x3: {  	_ = 	snop  }
0x4: {  	_ = 	snop  }
0x5: {  	_ = 	snop  }
0x6: {  	_ = 	snop  }
0x7: {  	_ = 	snop  }
__scs_overlays_trampoline_lowered:
0x8: {  	[smem:$0x3FA8] =	sst s0  }
0x9: {  	[smem:$0x3FA9] =	sst s1  }
0xa: {  	[smem:$0x3FAA] =	sst s2  }
0xb: {  	[smem:$0x3FAB] =	sst s3  }
0xc: {  	[smem:$0x3FAC] =	sst s4  }
0xd: {  	[smem:$0x3FAD] =	sst s5  }
0xe: {  	[smem:$0x3FAE] =	sst s6  }
0xf: {  	[smem:$0x3FAF] =	sst s7  }
0x10: {  	[smem:$0x3FB0] =	sst s8  }
0x11: {  	[smem:$0x3FB1] =	sst s9;
	s0 =	simm.s32 @!p0 $0x0  }
0x12: {  	s1 =	sld [smem:$0x3F97];
	s0 =	simm.s32 @p0 $0x1  }
0x13: {  	[smem:$0x3FB2] =	sst s0;
	s0 =	simm.s32 @!p1 $0x0  }
0x14: {  	s2 =	sld [smem:$0x3F96];
	s0 =	simm.s32 @p1 $0x1  }
0x15: {  	[smem:$0x3FB3] =	sst s0;
	s0 =	simm.s32 @!p2 $0x0  }
0x16: {  	s3 =	sld [smem:$0x3FDB];
	s0 =	simm.s32 @p2 $0x1  }
0x17: {  	s4 =	simm.s32 $0x1BF5;
	[smem:$0x3FB5] =	sst s0  }
0x18: {  	s0 =	sld [smem:$0x3F98];
	_ =	swait.ge [sflag:s4], $0x0  }
0x19: {  	s7 =	sld [smem:$0x3F99]  }
0x1a: {  	s8 =	sadd.s32 $0xFFFFE003, lr  }
0x1b: {  	s9 =	sadd.s32 $0xFFFFFEF7, lr;
	s5 =	simm.s32 $0xFFFFFFFF;
	p2 =	slt.u32 s8, $0xFFFFF086  }
0x1c: {  	p1 =	slt.u32 s9, $0xF7A;
	s5 =	simm.s32 @!p2 $0x0  }
0x1d: {  	s5 =	simm.s32 @p1 $0x1;
	p0 =	seq.s32 s7, s2  }
0x1e: {  	s7 =	smul.u32 @!p0 $0xF7A, s2;
	p2 =	seq.s32 @!p0 s5, $0x0  }
0x1f: {  	s9 =	smul.u32 $0xF7A, s1;
	s8 =	simm.s32 @!p0 $0x1BF5;
	p2 =	por !p2, p0  }
0x20: {  	[sflag:s8] =	ssyncset.s32 @!p0 $0xFFFFF086;
	s6 =	sadd.s32 @!p0 s3, s7;
	s7 =	simm.s32 @!p0 $0x108  }
0x21: {  	s3 =	sadd.s32 s3, s9;
	s6 =	sadd.s32 @!p0 $0x88, s6;
	s7 =	simm.s32 @p2 $0x1082  }
0x22: {  	[simem:s7], [sflag:s8] =	dma.local @!p0 [hbm:s6], $0xF7A  }
0x23: {  	s9 =	sor.u32 $0xD0000000, s2;
	s6 =	simm.s32 $0x108;
	_ =	swait.ge @!p0 [sflag:s8], $0x0  }
0x24: {  	s3 =	sadd.s32 $0x88, s3;
	s6 =	simm.s32 @!p1 $0x1082;
	[sflag:s4] =	ssyncset.s32 $0xFFFFF086  }
0x25: {  	[simem:s6], [sflag:s4] =	dma.local [hbm:s3], $0xF7A  }
0x26: {  	[smem:$0x3F99] =	sst s1;
	(tag) =	ssettag s2;
	_ =	strace s9  }
0x27: {  	s1 =	sld [smem:$0x3FA9]  }
0x28: {  	s2 =	sld [smem:$0x3FAA]  }
0x29: {  	s4 =	sld [smem:$0x3FAC]  }
0x2a: {  	p0 =	seq.s32 s5, $0x0;
	s5 =	sld [smem:$0x3FAD]  }
0x2b: {  	s6 =	sld [smem:$0x3FAE]  }
0x2c: {  	s7 =	sld [smem:$0x3FAF]  }
0x2d: {  	s3 =	simm.s32 $0x108;
	s8 =	sld [smem:$0x3FB0]  }
0x2e: {  	s3 =	simm.s32 @!p0 $0x1082;
	s9 =	sld [smem:$0x3FB1]  }
0x2f: {  	lr =	sadd.s32 s0, s3;
	s0 =	sld [smem:$0x3FA8]  }
0x30: {  	s3 =	sld [smem:$0x3FAB]  }
0x31: {  	[smem:$0x3FB4] =	sst s10  }
0x32: {  	s10 =	sld [smem:$0x3FB2];
	_ =	sdelay $0x3  }
0x33: {  	p0 =	seq.s32 s10, $0x1;
	s10 =	sld [smem:$0x3FB4];
	_ =	sdelay $0x3  }
0x34: {  	[smem:$0x3FB4] =	sst s10  }
0x35: {  	s10 =	sld [smem:$0x3FB3];
	_ =	sdelay $0x3  }
0x36: {  	p1 =	seq.s32 s10, $0x1;
	s10 =	sld [smem:$0x3FB4];
	_ =	sdelay $0x3  }
0x37: {  	[smem:$0x3FB4] =	sst s10  }
0x38: {  	s10 =	sld [smem:$0x3FB5]  }
0x39: {  	_ = 	snop;
	(pc) =	sbr.ind lr, $3  }
0x3a: {  	_ = 	snop  }
0x3b: {  	_ = 	snop  }
0x3c: {  	p2 =	seq.s32 s10, $0x1;
	s10 =	sld [smem:$0x3FB4]  }
0x3d: {  	_ =	shalt  }
0x3e: {  	_ =	shalt  }
0x3f: {  	_ =	shalt  }
0x40: {  	_ =	shalt  }
0x41: {  	_ =	shalt  }
0x42: {  	_ =	shalt  }
0x43: {  	_ =	shalt  }
0x44: {  	_ =	shalt  }
0x45: {  	_ =	shalt  }
0x46: {  	_ =	shalt  }
0x47: {  	_ =	shalt  }
0x48: {  	_ =	shalt  }
0x49: {  	_ =	shalt  }
0x4a: {  	_ =	shalt  }
0x4b: {  	_ =	shalt  }
0x4c: {  	_ =	shalt  }
0x4d: {  	_ =	shalt  }
0x4e: {  	_ =	shalt  }
0x4f: {  	_ =	shalt  }
0x50: {  	_ =	shalt  }
0x51: {  	_ =	shalt  }
0x52: {  	_ =	shalt  }
0x53: {  	_ =	shalt  }
0x54: {  	_ =	shalt  }
0x55: {  	_ =	shalt  }
0x56: {  	_ =	shalt  }
0x57: {  	_ =	shalt  }
0x58: {  	_ =	shalt  }
0x59: {  	_ =	shalt  }
0x5a: {  	_ =	shalt  }
0x5b: {  	_ =	shalt  }
0x5c: {  	_ =	shalt  }
0x5d: {  	_ =	shalt  }
0x5e: {  	_ =	shalt  }
0x5f: {  	_ =	shalt  }
0x60: {  	_ =	shalt  }
0x61: {  	_ =	shalt  }
0x62: {  	_ =	shalt  }
0x63: {  	_ =	shalt  }
0x64: {  	_ =	shalt  }
0x65: {  	_ =	shalt  }
0x66: {  	_ =	shalt  }
0x67: {  	_ =	shalt  }
0x68: {  	_ =	shalt  }
0x69: {  	_ =	shalt  }
0x6a: {  	_ =	shalt  }
0x6b: {  	_ =	shalt  }
0x6c: {  	_ =	shalt  }
0x6d: {  	_ =	shalt  }
0x6e: {  	_ =	shalt  }
0x6f: {  	_ =	shalt  }
0x70: {  	_ =	shalt  }
0x71: {  	_ =	shalt  }
0x72: {  	_ =	shalt  }
0x73: {  	_ =	shalt  }
0x74: {  	_ =	shalt  }
0x75: {  	_ =	shalt  }
0x76: {  	_ =	shalt  }
0x77: {  	_ =	shalt  }
0x78: {  	_ =	shalt  }
0x79: {  	_ =	shalt  }
0x7a: {  	_ =	shalt  }
0x7b: {  	_ =	shalt  }
0x7c: {  	_ =	shalt  }
0x7d: {  	_ =	shalt  }
0x7e: {  	_ =	shalt  }
0x7f: {  	_ =	shalt  }
0x80: {  	_ =	shalt  }
0x81: {  	_ =	shalt  }
0x82: {  	_ =	shalt  }
0x83: {  	_ =	shalt  }
0x84: {  	_ =	shalt  }
0x85: {  	_ =	shalt  }
0x86: {  	_ =	shalt  }
0x87: {  	_ =	shalt  }
.Lfunc_end0:
.L_simem_size_0:
called_computation.2_lowered:
.L_overlay_start_0:
0x88: {  	s2 =	sld [smem:$0x3FD9]  }
0x89: {  	s3 =	sld [smem:$0x3FFE];
	_ =	sdelay $0x1  }
0x8a: {  	s1 =	srdreg.scid  }
0x8b: {  	s0 =	sand.u32 $0x1, s1  }
0x8c: {  	s14 =	sshll.u32 s0, $0xA;
	s2 =	sadd.s32 s3, s2  }
0x8d: {  	s2 =	sadd.s32 s2, s14  }
0x8e: {  	[smem:$0x3FC0] =	sst s2  }
0x8f: {  	_ = 	snop  }
0x90: {  	s2 =	sld [smem:$0x3FD0];
	_ =	sdelay $0x2  }
0x91: {  	s15 =	simm.s32 $0xA;
	s4 =	simm.s32 $0x10  }
0x92: {  	[smem:s4], [sflag:s15] =	dma.local [hbm:s2], $0x1  }
0x93: {  	_ =	swait.eq [sflag:s15], $0x1  }
0x94: {  	[sflag:s15] =	ssyncset.done $0x0  }
0x95: {  	s16 =	sld [smem:$0x10];
	[sflag:s15] =	ssyncadd.s32 $0xFFFFFFFF  }
0x96: {  	s17 =	sld [smem:$0x11];
	(tm) =	ssettm $0x1  }
0x97: {  	s18 =	sld [smem:$0x3FFB];
	_ =	sdelay $0x3  }
0x98: {  	_ =	strace s18  }
0x99: {  	s4 =	sld [smem:$0x3FFC];
	_ =	sdelay $0x3  }
0x9a: {  	_ =	strace s4  }
0x9b: {  	s4 =	sld [smem:$0x3FFD];
	_ =	sdelay $0x3  }
0x9c: {  	_ =	strace s4  }
0x9d: {  	_ =	strace $0x8FFFFFFF  }
0x9e: {  	s19 =	sld [smem:$0x3FDB];
	_ =	sdelay $0x1  }
0x9f: {  	s5 =	simm.s32 $_scs_section_size  }
0xa0: {  	s6 =	simm.s32 $_size__tile_overlayer_lowered;
	s7 =	simm.s32 $_tile_overlayer_lowered  }
0xa1: {  	s22 =	simm.s32 $0x1BFF;
	s21 =	sshll.u32 s7, $0x1;
	s4 =	sadd.s32 s5, s19  }
0xa2: {  	s8 =	simm.s32 $0x0;
	s20 =	sshll.u32 s6, $0x1;
	s6 =	sadd.s32 s21, s4  }
0xa3: {  	[timem:s8], [sflag:s22] =	dma.local [hbm:s6], s20  }
0xa4: {  	_ =	swait.ge [sflag:s22], s20  }
0xa5: {  	s5 =	ssub.s32 $0x0, s20;
	[sflag:s22] =	ssyncset.done $0x0  }
0xa6: {  	[sflag:s22] =	ssyncadd.s32 s5;
	_ =	sdelay $0x1  }
0xa7: {  	s23 =	simm.s32 $0x1B8B  }
0xa8: {  	_ =	swait.ge [sflag:s23], $0x1  }
0xa9: {  	[sflag:s23] =	ssyncset.done $0x0  }
0xaa: {  	s25 =	simm.s32 $0x1B8E;
	s24 =	sld [smem:$0x3FFE];
	[sflag:s23] =	ssyncadd.s32 $0xFFFFFFFF  }
0xab: {  	s26 =	simm.s32 $execute0_lowered;
	[smem:$0x3FD2] =	sst s25  }
0xac: {  	s6 =	sshll.u32 s26, $0x1;
	_ =	strace $0x8000004C;
	[dreg:$0x1] =	wrdreg $0xFFFFFFFF  }
0xad: {  	s28 =	simm.s32 $_size_execute0_lowered;
	s4 =	sadd.s32 s4, s6;
	[dreg:$0x0] =	wrdreg $0x0  }
0xae: {  	s6 =	sshll.u32 s28, $0x1;
	[dreg:$0x2] =	wrdreg s4  }
0xaf: {  	[dreg:$0x3] =	wrdreg s6  }
0xb0: {  	[dreg:$0x4] =	wrdreg $0xC0  }
0xb1: {  	_ =	task [dreg:s8], $0x5FFFF  }
0xb2: {  	[dreg:$0x1] =	wrdreg $0xFFFFFFFF  }
0xb3: {  	[dreg:$0x0] =	wrdreg $0x60  }
0xb4: {  	[dreg:$0x2] =	wrdreg s17  }
0xb5: {  	[dreg:$0x3] =	wrdreg s16  }
0xb6: {  	[dreg:$0x4] =	wrdreg s24  }
0xb7: {  	[dreg:$0x5] =	wrdreg $0x82000  }
0xb8: {  	[dreg:$0x6] =	wrdreg $0x9  }
0xb9: {  	_ =	task.clear_ibuf [dreg:s8], $0x7FFFF;
	_ =	strace $0x9000004C  }
0xba: {  	s29 =	simm.s32 $0x9;
	_ =	strace $0x8000004E  }
0xbb: {  	_ =	swait.ge [sflag:s29], $0x1  }
0xbc: {  	[sflag:s29] =	ssyncadd.s32 $0xFFFFFFFF  }
0xbd: {  	_ =	strace $0x9000004E  }
0xbe: {  	_ =	sfence  }
0xbf: {  	s30 =	sld [smem:$0x0];
	_ =	sdelay $0x2  }
0xc0: {  	s31 =	sshll.u32 s1, $0xD;
	s1 =	sshrl.u32 s1, $0x2  }
0xc1: {  	s3 =	sand.u32 $0x4000, s31;
	s1 =	sadd.s32 s1, s30  }
0xc2: {  	s0 =	sor.u32 s3, s0;
	s1 =	sshll.u32 s1, $0x11  }
0xc3: {  	s0 =	sor.u32 s1, s0  }
0xc4: {  	s0 =	sadd.s32 $0x8F2B, s0  }
0xc5: {  	[sflag:s0] =	ssyncadd.remote.s32 $0x1  }
0xc6: {  	_ =	sfence.sel $0xFFFF  }
0xc7: {  	[dreg:$0x0] =	wrdreg $0xFFFFFFFF;
	(pc) =	sbr.abs _section_cstart, $3  }
0xc8: {  	[dreg:$0x1] =	wrdreg $0xFFFFFFFF  }
0xc9: {  	_ =	task.clear_ibuf [dreg:s8], $0x2FFFF;
	_ =	strace $0x9FFFFFFF  }
0xca: {  	(tm) =	ssettm $0x7FFFFFFF  }
0xcb: {  	_ =	shalt  }
tec
execute0_lowered:
.L_overlay_start_1:
0x0: {  	(tag) =	ssettag $0x1  }
0x1: {  	s0 =	rddreg [dreg:$0x0]  }
0x2: {  	s4 =	rddreg [dreg:$0x1]  }
0x3: {  	s5 =	rddreg [dreg:$0x2]  }
0x4: {  	s1 =	rddreg [dreg:$0x3];
	s2 =	simm.s32 $0x0;
	s6 =	srdreg.scid  }
0x5: {  	s20 =	stileid.u32;
	s28 =	simm.s32 $0x4200;
	s29 =	simm.s32 $0x3  }
0x6: {  	s30 =	simm.s32 $0x4;
	s31 =	simm.s32 $0x0;
	[smem:$0x7FF] =	sst s2  }
0x7: {  	s3 =	sadd.s32 $0x2C00, s5;
	s11 =	sand.u32 $0x1, s6;
	s8 =	smul.u32 $0x4E000, s20  }
0x8: {  	s7 =	sshll.u32 s20, $0x1;
	s13 =	smul.u32 $0x13800, s20;
	s14 =	sadd.s32 $0x29E00, s5  }
0x9: {  	s21 =	sshll.u32 s20, $0x6;
	s23 =	sadd.s32 $0x138000, s1;
	s5 =	sadd.s32 $0x29C00, s5  }
0xa: {  	s24 =	smul.u32 $0x5000, s20;
	p0 =	sne.s32 s20, $0x0;
	s20 =	simm.s32 $0x5  }
0xb: {  	_ =	strace $0x8000004D;
	s6 =	ssub.s32 $0x2, s11;
	[dreg:$0x7] =	wrdreg s23  }
0xc: {  	s7 =	sor.u32 s11, s7;
	s16 =	smul.u32 $0x138800, s11;
	[dreg:$0x8] =	wrdreg s5  }
0xd: {  	s23 =	simm.s32 $0x80;
	s9 =	sshrl.u32 s6, $0x1;
	s18 =	sshrl.u32 s8, $0x2  }
0xe: {  	s19 =	sshrl.u32 s13, $0x3;
	s15 =	ssub.s32 s6, s9;
	s6 =	sadd.s32 s18, s1  }
0xf: {  	s17 =	smul.u32 $0x2800, s7;
	s22 =	sadd.s32 s3, s19;
	[dreg:$0x5] =	wrdreg s6  }
0x10: {  	s13 =	sadd.s32 s13, s16;
	s16 =	sshrl.u32 s16, $0x3;
	[dreg:$0x6] =	wrdreg s22  }
0x11: {  	s6 =	sor.u32 $0x1C05, s21;
	s12 =	sshrl.u32 s17, $0x3;
	s17 =	smul.u32 $0x2800, s11  }
0x12: {  	s13 =	sshrl.u32 s13, $0x3;
	s15 =	smax.u32 s15, $0x1;
	s21 =	simm.s32 $0x100  }
0x13: {  	s22 =	simm.s32 $0x1;
	s9 =	sadd.s32 s0, s12;
	s10 =	sadd.s32 s4, s12  }
0x14: {  	s12 =	sor.u32 $0x10, s12;
	s13 =	sadd.s32 s14, s13;
	s14 =	sadd.s32 s14, s16  }
0x15: {  	s11 =	sadd.s32 s0, s12;
	s12 =	sadd.s32 s4, s12;
	s5 =	sadd.s32 s17, s24  }
0x16: {  	s14 =	sadd.s32 $0x27000, s14;
	s25 =	sor.u32 $0x180, s5;
	s5 =	sor.u32 $0x100, s5  }
0x17: {  	s24 =	simm.s32 $0x200;
	s26 =	sshrl.u32 s25, $0x3;
	s5 =	sshrl.u32 s5, $0x3  }
0x18: {  	s25 =	simm.s32 $0x180;
	s16 =	sadd.s32 s26, s4;
	s17 =	sadd.s32 s26, s0  }
0x19: {  	s18 =	sadd.s32 s5, s4;
	s19 =	sadd.s32 s5, s0;
	s26 =	simm.s32 $0x2  }
.LBB2_1:
0x1a: {  	s0 =	rddreg [dreg:$0x5]  }
0x1b: {  	s4 =	rddreg [dreg:$0x6];
	s0 =	sshrl.u32 s0, $0x3  }
0x1c: {  	[spmem:s0], [sflag:s6] =	dma.local [hbm:s4], $0x2700  }
0x1d: {  	_ =	swait.ge [sflag:s20], $0x2700  }
0x1e: {  	[sflag:s20] =	ssyncset.done $0x0;
	s4 =	rddreg [dreg:$0x7]  }
0x1f: {  	s5 =	rddreg [dreg:$0x8];
	[sflag:s20] =	ssyncadd.s32 $0xFFFFD900;
	s4 =	sshrl.u32 @!p0 s4, $0x3  }
0x20: {  	[spmem:s4], [sflag:s6] =	dma.local @!p0 [hbm:s5], $0x100  }
0x21: {  	s5 =	simm.s32 @!p0 $0x5  }
0x22: {  	_ =	swait.ge @!p0 [sflag:s5], $0x100  }
0x23: {  	[sflag:s5] =	ssyncset.done @!p0 $0x0  }
0x24: {  	[sflag:s5] =	ssyncadd.s32 @!p0 $0xFFFFFF00  }
0x25: {  	[bflag:$0x0] =	sbarrier.arrive $0xFFFF  }
0x26: {  	[tilespmem:s2], [sflag:$0x1] =	stream.linear.gather [hbm4b:s9+s2], $0x80, $0x38;
	[tilespmem:$0x1BB00] =	vst v63  }
0x27: {  	_ = 	snop  }
0x28: {  	[tilespmem:s21], [sflag:$0x1] =	stream.linear.gather [hbm4b:s10+s2], $0x80, $0x38;
	[tilespmem:$0x1BB00] =	vst v63  }
0x29: {  	_ =	swait.ge [sflag:s22], $0x80  }
0x2a: {  	[sflag:s22] =	ssyncset.done $0x0  }
0x2b: {  	[sflag:s22] =	ssyncadd.s32 $0xFFFFFF80  }
0x2c: {  	_ =	swait.ge [sflag:s22], $0x80  }
0x2d: {  	[sflag:s22] =	ssyncset.done $0x0  }
0x2e: {  	[sflag:s22] =	ssyncadd.s32 $0xFFFFFF80  }
0x2f: {  	[tilespmem:s24], [sflag:$0x3] =	stream.indirect.gather [hbm4b:s3+s23], $0x80, s2, s23, $0xb8;
	[tilespmem:$0x1BB00] =	vst v63  }
0x30: {  	_ = 	snop  }
0x31: {  	[tilespmem:s23], [sflag:$0x2] =	stream.linear.gather [hbm4b:s11+s2], $0x80, $0x38;
	[tilespmem:$0x1BB00] =	vst v63  }
0x32: {  	_ = 	snop  }
0x33: {  	[tilespmem:s25], [sflag:$0x2] =	stream.linear.gather [hbm4b:s12+s2], $0x80, $0x38;
	[tilespmem:$0x1BB00] =	vst v63  }
0x34: {  	_ =	swait.ge [sflag:s26], $0x80  }
0x35: {  	[sflag:s26] =	ssyncset.done $0x0  }
0x36: {  	[sflag:s26] =	ssyncadd.s32 $0xFFFFFF80  }
0x37: {  	_ =	swait.ge [sflag:s26], $0x80  }
0x38: {  	[sflag:s26] =	ssyncset.done $0x0  }
0x39: {  	[sflag:s26] =	ssyncadd.s32 $0xFFFFFF80  }
0x3a: {  	[tilespmem:s28], [sflag:$0x4] =	stream.indirect.gather [hbm4b:s3+s23], $0x80, s23, s23, $0xb8;
	[tilespmem:$0x1BB00] =	vst v63  }
0x3b: {  	_ =	swait.ge [sflag:s29], $0x4000  }
0x3c: {  	[sflag:s29] =	ssyncset.done $0x0  }
0x3d: {  	s7 =	sadd.s32 $0x0, s19;
	[sflag:s29] =	ssyncadd.s32 $0xFFFFC000  }
0x3e: {  	[tilespmem:s2], [sflag:$0x1] =	stream.linear.gather [hbm4b:s7+s2], $0x80, $0x38;
	[tilespmem:$0x1BB00] =	vst v63  }
0x3f: {  	s8 =	sadd.s32 $0x0, s18  }
0x40: {  	[tilespmem:s21], [sflag:$0x1] =	stream.linear.gather [hbm4b:s8+s2], $0x80, $0x38;
	[tilespmem:$0x1BB00] =	vst v63  }
0x41: {  	_ = 	snop  }
0x42: {  	[spmem:s1] =	stream.indirect.scatter.add.f32 [tilespmem:s24], [sflag:$0x5], $0x80, s21, s23, $0xb8;
	[tilespmem:$0x1BB00] =	vst v63  }
0x43: {  	_ =	swait.ge [sflag:s20], $0x4000  }
0x44: {  	[sflag:s20] =	ssyncset.done $0x0  }
0x45: {  	[sflag:s20] =	ssyncadd.s32 $0xFFFFC000  }
0x46: {  	_ =	swait.ge [sflag:s22], $0x80  }
0x47: {  	[sflag:s22] =	ssyncset.done $0x0  }
0x48: {  	[sflag:s22] =	ssyncadd.s32 $0xFFFFFF80  }
0x49: {  	_ =	swait.ge [sflag:s22], $0x80  }
0x4a: {  	[sflag:s22] =	ssyncset.done $0x0  }
0x4b: {  	[sflag:s22] =	ssyncadd.s32 $0xFFFFFF80  }
0x4c: {  	[tilespmem:s24], [sflag:$0x3] =	stream.indirect.gather [hbm4b:s3+s23], $0x80, s2, s23, $0xb8;
	[tilespmem:$0x1BB00] =	vst v63  }
0x4d: {  	_ =	swait.ge [sflag:s30], $0x4000  }
0x4e: {  	[sflag:s30] =	ssyncset.done $0x0  }
0x4f: {  	s7 =	sadd.s32 $0x0, s17;
	[sflag:s30] =	ssyncadd.s32 $0xFFFFC000  }
0x50: {  	[tilespmem:s23], [sflag:$0x2] =	stream.linear.gather [hbm4b:s7+s2], $0x80, $0x38;
	[tilespmem:$0x1BB00] =	vst v63  }
0x51: {  	s8 =	sadd.s32 $0x0, s16  }
0x52: {  	[tilespmem:s25], [sflag:$0x2] =	stream.linear.gather [hbm4b:s8+s2], $0x80, $0x38;
	[tilespmem:$0x1BB00] =	vst v63  }
0x53: {  	_ = 	snop  }
0x54: {  	[spmem:s1] =	stream.indirect.scatter.add.f32 [tilespmem:s28], [sflag:$0x5], $0x80, s25, s23, $0xb8;
	[tilespmem:$0x1BB00] =	vst v63  }
0x55: {  	_ =	swait.ge [sflag:s20], $0x4000  }
0x56: {  	[sflag:s20] =	ssyncset.done $0x0  }
0x57: {  	[sflag:s20] =	ssyncadd.s32 $0xFFFFC000  }
0x58: {  	_ =	swait.ge [sflag:s26], $0x80  }
0x59: {  	[sflag:s26] =	ssyncset.done $0x0  }
0x5a: {  	[sflag:s26] =	ssyncadd.s32 $0xFFFFFF80  }
0x5b: {  	_ =	swait.ge [sflag:s26], $0x80  }
0x5c: {  	[sflag:s26] =	ssyncset.done $0x0  }
0x5d: {  	s5 =	simm.s32 $0x20;
	[sflag:s26] =	ssyncadd.s32 $0xFFFFFF80  }
.LBB2_2:
0x5e: {  	[tilespmem:s28], [sflag:$0x4] =	stream.indirect.gather [hbm4b:s3+s23], $0x80, s23, s23, $0xb8;
	[tilespmem:$0x1BB00] =	vst v63  }
0x5f: {  	s7 =	smov.u32 s5  }
0x60: {  	p1 =	sne.s32 s5, $0x4C0;
	s5 =	sadd.s32 $0x20, s5;
	_ =	swait.ge [sflag:s29], $0x4000  }
0x61: {  	[sflag:s29] =	ssyncset.done $0x0  }
0x62: {  	s8 =	sadd.s32 s7, s19;
	[sflag:s29] =	ssyncadd.s32 $0xFFFFC000  }
0x63: {  	[tilespmem:s2], [sflag:$0x1] =	stream.linear.gather [hbm4b:s8+s2], $0x80, $0x38;
	[tilespmem:$0x1BB00] =	vst v63  }
0x64: {  	s8 =	sadd.s32 s7, s18  }
0x65: {  	[tilespmem:s21], [sflag:$0x1] =	stream.linear.gather [hbm4b:s8+s2], $0x80, $0x38;
	[tilespmem:$0x1BB00] =	vst v63  }
0x66: {  	_ = 	snop  }
0x67: {  	[spmem:s1] =	stream.indirect.scatter.add.f32 [tilespmem:s24], [sflag:$0x5], $0x80, s21, s23, $0xb8;
	[tilespmem:$0x1BB00] =	vst v63  }
0x68: {  	_ =	swait.ge [sflag:s20], $0x4000  }
0x69: {  	[sflag:s20] =	ssyncset.done $0x0  }
0x6a: {  	[sflag:s20] =	ssyncadd.s32 $0xFFFFC000  }
0x6b: {  	_ =	swait.ge [sflag:s22], $0x80  }
0x6c: {  	[sflag:s22] =	ssyncset.done $0x0  }
0x6d: {  	[sflag:s22] =	ssyncadd.s32 $0xFFFFFF80  }
0x6e: {  	_ =	swait.ge [sflag:s22], $0x80  }
0x6f: {  	[sflag:s22] =	ssyncset.done $0x0  }
0x70: {  	[sflag:s22] =	ssyncadd.s32 $0xFFFFFF80  }
0x71: {  	[tilespmem:s24], [sflag:$0x3] =	stream.indirect.gather [hbm4b:s3+s23], $0x80, s2, s23, $0xb8;
	[tilespmem:$0x1BB00] =	vst v63  }
0x72: {  	_ =	swait.ge [sflag:s30], $0x4000  }
0x73: {  	[sflag:s30] =	ssyncset.done $0x0  }
0x74: {  	s8 =	sadd.s32 s7, s17;
	[sflag:s30] =	ssyncadd.s32 $0xFFFFC000  }
0x75: {  	[tilespmem:s23], [sflag:$0x2] =	stream.linear.gather [hbm4b:s8+s2], $0x80, $0x38;
	[tilespmem:$0x1BB00] =	vst v63  }
0x76: {  	s7 =	sadd.s32 s7, s16  }
0x77: {  	[tilespmem:s25], [sflag:$0x2] =	stream.linear.gather [hbm4b:s7+s2], $0x80, $0x38;
	[tilespmem:$0x1BB00] =	vst v63  }
0x78: {  	_ = 	snop  }
0x79: {  	[spmem:s1] =	stream.indirect.scatter.add.f32 [tilespmem:s28], [sflag:$0x5], $0x80, s25, s23, $0xb8;
	[tilespmem:$0x1BB00] =	vst v63  }
0x7a: {  	_ =	swait.ge [sflag:s20], $0x4000  }
0x7b: {  	[sflag:s20] =	ssyncset.done $0x0  }
0x7c: {  	[sflag:s20] =	ssyncadd.s32 $0xFFFFC000  }
0x7d: {  	_ =	swait.ge [sflag:s26], $0x80  }
.Ltmp0:
0x7e: {  	[sflag:s26] =	ssyncset.done $0x0;
	(pc) =	sbr.rel @p1 .LBB2_2-.Ltmp0, $4  }
0x7f: {  	[sflag:s26] =	ssyncadd.s32 $0xFFFFFF80  }
0x80: {  	_ =	swait.ge [sflag:s26], $0x80  }
0x81: {  	[sflag:s26] =	ssyncset.done $0x0  }
0x82: {  	[sflag:s26] =	ssyncadd.s32 $0xFFFFFF80  }
0x83: {  	[tilespmem:s28], [sflag:$0x4] =	stream.indirect.gather [hbm4b:s3+s23], $0x80, s23, s23, $0xb8;
	[tilespmem:$0x1BB00] =	vst v63  }
0x84: {  	_ =	swait.ge [sflag:s29], $0x4000  }
0x85: {  	[sflag:s29] =	ssyncset.done $0x0  }
0x86: {  	[sflag:s29] =	ssyncadd.s32 $0xFFFFC000  }
0x87: {  	[spmem:s1] =	stream.indirect.scatter.add.f32 [tilespmem:s24], [sflag:$0x5], $0x80, s21, s23, $0xb8;
	[tilespmem:$0x1BB00] =	vst v63  }
0x88: {  	_ =	swait.ge [sflag:s20], $0x4000  }
0x89: {  	[sflag:s20] =	ssyncset.done $0x0  }
0x8a: {  	[sflag:s20] =	ssyncadd.s32 $0xFFFFC000  }
0x8b: {  	_ =	swait.ge [sflag:s30], $0x4000  }
0x8c: {  	[sflag:s30] =	ssyncset.done $0x0  }
0x8d: {  	[sflag:s30] =	ssyncadd.s32 $0xFFFFC000  }
0x8e: {  	[spmem:s1] =	stream.indirect.scatter.add.f32 [tilespmem:s28], [sflag:$0x5], $0x80, s25, s23, $0xb8;
	[tilespmem:$0x1BB00] =	vst v63  }
0x8f: {  	_ =	swait.ge [sflag:s20], $0x4000  }
0x90: {  	[sflag:s20] =	ssyncset.done $0x0  }
0x91: {  	[sflag:s20] =	ssyncadd.s32 $0xFFFFC000  }
0x92: {  	[bflag:$0x0] =	sbarrier.arrive $0xFFFF  }
0x93: {  	[hbm:s13], [sflag:s6] =	dma.local [spmem:s0], $0x2700  }
0x94: {  	s31 =	sadd.s32 $0x1, s31;
	_ =	swait.ge [sflag:s20], $0x2700  }
0x95: {  	p1 =	sne.s32 s31, s15;
	[sflag:s20] =	ssyncset.done $0x0  }
.Ltmp1:
0x96: {  	s0 =	simm.s32 @!p0 $0x5;
	[sflag:s20] =	ssyncadd.s32 $0xFFFFD900;
	(pc) =	sbr.rel @p1 .LBB2_1-.Ltmp1, $4  }
0x97: {  	[hbm:s14], [sflag:s6] =	dma.local @!p0 [spmem:s4], $0x100  }
0x98: {  	_ =	swait.ge @!p0 [sflag:s0], $0x100  }
0x99: {  	[sflag:s0] =	ssyncset.done @!p0 $0x0  }
0x9a: {  	[sflag:s0] =	ssyncadd.s32 @!p0 $0xFFFFFF00  }
0x9b: {  	_ =	sfence.sel $0x180000  }
0x9c: {  	[bflag:$0x0] =	sbarrier.arrive $0xFFFF  }
0x9d: {  	_ =	strace $0x9000004D  }
0x9e: {  	[bflag:$0x2] =	sbarrier.arrive $0xFFFF  }
0x9f: {  	s0 =	rddreg [dreg:$0x4]  }
0xa0: {  	s0 =	sadd.s32 @!p0 $0x100000, s0  }
0xa1: {  	[sflag:s0] =	ssyncadd.tile.s32 @!p0 $0x1;
	_ =	shalt  }
.Lfunc_end2:
_tile_overlayer_lowered:
.L_overlay_start_2:
0xa2: {  	(tag) =	ssettag $0x2  }
0xa3: {  	s0 =	rddreg [dreg:$0x0];
	s2 =	stileid.u32  }
0xa4: {  	s1 =	rddreg [dreg:$0x1];
	p0 =	sne.s32 s2, $0x0  }
0xa5: {  	s3 =	rddreg [dreg:$0x2];
	[bflag:$0x3] =	sbarrier.arrive $0xFFFF;
	s2 =	simm.s32 @!p0 $0x1C05  }
0xa6: {  	[timem:s3], [sflag:s2] =	dma.local @!p0 [hbm:s0], s1  }
0xa7: {  	s0 =	simm.s32 @!p0 $0x5  }
0xa8: {  	_ =	swait.ge @!p0 [sflag:s0], s1  }
0xa9: {  	s1 =	ssub.s32 @!p0 $0x0, s1;
	[sflag:s0] =	ssyncset.done @!p0 $0x0  }
0xaa: {  	[sflag:s0] =	ssyncadd.s32 @!p0 s1  }
0xab: {  	[bflag:$0x3] =	sbarrier.arrive $0xFFFF  }
0xac: {  	_ =	shalt  }

// kernel: kernel.8.cloned.1.call-start
scs
__scs_entry_jumppad:
0x0: {  	(pc) =	sbr.rel $0x88, $3  }
0x1: {  	(tag) =	ssettag $0x0;
	lr =	simm.s32 $0x1  }
0x2: {  	[smem:$0x3F99] =	sst lr;
	_ =	strace $0xD0000000  }
0x3: {  	_ = 	snop  }
0x4: {  	_ = 	snop  }
0x5: {  	_ = 	snop  }
0x6: {  	_ = 	snop  }
0x7: {  	_ = 	snop  }
__scs_overlays_trampoline_lowered:
0x8: {  	[smem:$0x3FA8] =	sst s0  }
0x9: {  	[smem:$0x3FA9] =	sst s1  }
0xa: {  	[smem:$0x3FAA] =	sst s2  }
0xb: {  	[smem:$0x3FAB] =	sst s3  }
0xc: {  	[smem:$0x3FAC] =	sst s4  }
0xd: {  	[smem:$0x3FAD] =	sst s5  }
0xe: {  	[smem:$0x3FAE] =	sst s6  }
0xf: {  	[smem:$0x3FAF] =	sst s7  }
0x10: {  	[smem:$0x3FB0] =	sst s8  }
0x11: {  	[smem:$0x3FB1] =	sst s9;
	s0 =	simm.s32 @!p0 $0x0  }
0x12: {  	s1 =	sld [smem:$0x3F97];
	s0 =	simm.s32 @p0 $0x1  }
0x13: {  	[smem:$0x3FB2] =	sst s0;
	s0 =	simm.s32 @!p1 $0x0  }
0x14: {  	s2 =	sld [smem:$0x3F96];
	s0 =	simm.s32 @p1 $0x1  }
0x15: {  	[smem:$0x3FB3] =	sst s0;
	s0 =	simm.s32 @!p2 $0x0  }
0x16: {  	s3 =	sld [smem:$0x3FDB];
	s0 =	simm.s32 @p2 $0x1  }
0x17: {  	s4 =	simm.s32 $0x1BF5;
	[smem:$0x3FB5] =	sst s0  }
0x18: {  	s0 =	sld [smem:$0x3F98];
	_ =	swait.ge [sflag:s4], $0x0  }
0x19: {  	s7 =	sld [smem:$0x3F99]  }
0x1a: {  	s8 =	sadd.s32 $0xFFFFE003, lr  }
0x1b: {  	s9 =	sadd.s32 $0xFFFFFEF7, lr;
	s5 =	simm.s32 $0xFFFFFFFF;
	p2 =	slt.u32 s8, $0xFFFFF086  }
0x1c: {  	p1 =	slt.u32 s9, $0xF7A;
	s5 =	simm.s32 @!p2 $0x0  }
0x1d: {  	s5 =	simm.s32 @p1 $0x1;
	p0 =	seq.s32 s7, s2  }
0x1e: {  	s7 =	smul.u32 @!p0 $0xF7A, s2;
	p2 =	seq.s32 @!p0 s5, $0x0  }
0x1f: {  	s9 =	smul.u32 $0xF7A, s1;
	s8 =	simm.s32 @!p0 $0x1BF5;
	p2 =	por !p2, p0  }
0x20: {  	[sflag:s8] =	ssyncset.s32 @!p0 $0xFFFFF086;
	s6 =	sadd.s32 @!p0 s3, s7;
	s7 =	simm.s32 @!p0 $0x108  }
0x21: {  	s3 =	sadd.s32 s3, s9;
	s6 =	sadd.s32 @!p0 $0x88, s6;
	s7 =	simm.s32 @p2 $0x1082  }
0x22: {  	[simem:s7], [sflag:s8] =	dma.local @!p0 [hbm:s6], $0xF7A  }
0x23: {  	s9 =	sor.u32 $0xD0000000, s2;
	s6 =	simm.s32 $0x108;
	_ =	swait.ge @!p0 [sflag:s8], $0x0  }
0x24: {  	s3 =	sadd.s32 $0x88, s3;
	s6 =	simm.s32 @!p1 $0x1082;
	[sflag:s4] =	ssyncset.s32 $0xFFFFF086  }
0x25: {  	[simem:s6], [sflag:s4] =	dma.local [hbm:s3], $0xF7A  }
0x26: {  	[smem:$0x3F99] =	sst s1;
	(tag) =	ssettag s2;
	_ =	strace s9  }
0x27: {  	s1 =	sld [smem:$0x3FA9]  }
0x28: {  	s2 =	sld [smem:$0x3FAA]  }
0x29: {  	s4 =	sld [smem:$0x3FAC]  }
0x2a: {  	p0 =	seq.s32 s5, $0x0;
	s5 =	sld [smem:$0x3FAD]  }
0x2b: {  	s6 =	sld [smem:$0x3FAE]  }
0x2c: {  	s7 =	sld [smem:$0x3FAF]  }
0x2d: {  	s3 =	simm.s32 $0x108;
	s8 =	sld [smem:$0x3FB0]  }
0x2e: {  	s3 =	simm.s32 @!p0 $0x1082;
	s9 =	sld [smem:$0x3FB1]  }
0x2f: {  	lr =	sadd.s32 s0, s3;
	s0 =	sld [smem:$0x3FA8]  }
0x30: {  	s3 =	sld [smem:$0x3FAB]  }
0x31: {  	[smem:$0x3FB4] =	sst s10  }
0x32: {  	s10 =	sld [smem:$0x3FB2];
	_ =	sdelay $0x3  }
0x33: {  	p0 =	seq.s32 s10, $0x1;
	s10 =	sld [smem:$0x3FB4];
	_ =	sdelay $0x3  }
0x34: {  	[smem:$0x3FB4] =	sst s10  }
0x35: {  	s10 =	sld [smem:$0x3FB3];
	_ =	sdelay $0x3  }
0x36: {  	p1 =	seq.s32 s10, $0x1;
	s10 =	sld [smem:$0x3FB4];
	_ =	sdelay $0x3  }
0x37: {  	[smem:$0x3FB4] =	sst s10  }
0x38: {  	s10 =	sld [smem:$0x3FB5]  }
0x39: {  	_ = 	snop;
	(pc) =	sbr.ind lr, $3  }
0x3a: {  	_ = 	snop  }
0x3b: {  	_ = 	snop  }
0x3c: {  	p2 =	seq.s32 s10, $0x1;
	s10 =	sld [smem:$0x3FB4]  }
0x3d: {  	_ =	shalt  }
0x3e: {  	_ =	shalt  }
0x3f: {  	_ =	shalt  }
0x40: {  	_ =	shalt  }
0x41: {  	_ =	shalt  }
0x42: {  	_ =	shalt  }
0x43: {  	_ =	shalt  }
0x44: {  	_ =	shalt  }
0x45: {  	_ =	shalt  }
0x46: {  	_ =	shalt  }
0x47: {  	_ =	shalt  }
0x48: {  	_ =	shalt  }
0x49: {  	_ =	shalt  }
0x4a: {  	_ =	shalt  }
0x4b: {  	_ =	shalt  }
0x4c: {  	_ =	shalt  }
0x4d: {  	_ =	shalt  }
0x4e: {  	_ =	shalt  }
0x4f: {  	_ =	shalt  }
0x50: {  	_ =	shalt  }
0x51: {  	_ =	shalt  }
0x52: {  	_ =	shalt  }
0x53: {  	_ =	shalt  }
0x54: {  	_ =	shalt  }
0x55: {  	_ =	shalt  }
0x56: {  	_ =	shalt  }
0x57: {  	_ =	shalt  }
0x58: {  	_ =	shalt  }
0x59: {  	_ =	shalt  }
0x5a: {  	_ =	shalt  }
0x5b: {  	_ =	shalt  }
0x5c: {  	_ =	shalt  }
0x5d: {  	_ =	shalt  }
0x5e: {  	_ =	shalt  }
0x5f: {  	_ =	shalt  }
0x60: {  	_ =	shalt  }
0x61: {  	_ =	shalt  }
0x62: {  	_ =	shalt  }
0x63: {  	_ =	shalt  }
0x64: {  	_ =	shalt  }
0x65: {  	_ =	shalt  }
0x66: {  	_ =	shalt  }
0x67: {  	_ =	shalt  }
0x68: {  	_ =	shalt  }
0x69: {  	_ =	shalt  }
0x6a: {  	_ =	shalt  }
0x6b: {  	_ =	shalt  }
0x6c: {  	_ =	shalt  }
0x6d: {  	_ =	shalt  }
0x6e: {  	_ =	shalt  }
0x6f: {  	_ =	shalt  }
0x70: {  	_ =	shalt  }
0x71: {  	_ =	shalt  }
0x72: {  	_ =	shalt  }
0x73: {  	_ =	shalt  }
0x74: {  	_ =	shalt  }
0x75: {  	_ =	shalt  }
0x76: {  	_ =	shalt  }
0x77: {  	_ =	shalt  }
0x78: {  	_ =	shalt  }
0x79: {  	_ =	shalt  }
0x7a: {  	_ =	shalt  }
0x7b: {  	_ =	shalt  }
0x7c: {  	_ =	shalt  }
0x7d: {  	_ =	shalt  }
0x7e: {  	_ =	shalt  }
0x7f: {  	_ =	shalt  }
0x80: {  	_ =	shalt  }
0x81: {  	_ =	shalt  }
0x82: {  	_ =	shalt  }
0x83: {  	_ =	shalt  }
0x84: {  	_ =	shalt  }
0x85: {  	_ =	shalt  }
0x86: {  	_ =	shalt  }
0x87: {  	_ =	shalt  }
.Lfunc_end0:
.L_simem_size_0:
called_computation_lowered:
.L_overlay_start_0:
0x88: {  	s2 =	sld [smem:$0x3FD9]  }
0x89: {  	s3 =	sld [smem:$0x3FFE];
	_ =	sdelay $0x1  }
0x8a: {  	s1 =	srdreg.scid  }
0x8b: {  	s0 =	sand.u32 $0x1, s1  }
0x8c: {  	s16 =	sshll.u32 s0, $0xA;
	s2 =	sadd.s32 s3, s2  }
0x8d: {  	s2 =	sadd.s32 s2, s16  }
0x8e: {  	[smem:$0x3FC0] =	sst s2  }
0x8f: {  	_ = 	snop  }
0x90: {  	(tm) =	ssettm $0x1  }
0x91: {  	s17 =	sld [smem:$0x3FFB];
	_ =	sdelay $0x3  }
0x92: {  	_ =	strace s17  }
0x93: {  	s2 =	sld [smem:$0x3FFC];
	_ =	sdelay $0x3  }
0x94: {  	_ =	strace s2  }
0x95: {  	s2 =	sld [smem:$0x3FFD];
	_ =	sdelay $0x3  }
0x96: {  	_ =	strace s2  }
0x97: {  	_ =	strace $0x8FFFFFFF  }
0x98: {  	s18 =	sld [smem:$0x3FDB];
	_ =	sdelay $0x1  }
0x99: {  	s19 =	simm.s32 $_scs_section_size  }
0x9a: {  	s4 =	simm.s32 $_size__tile_overlayer_lowered;
	s5 =	simm.s32 $_tile_overlayer_lowered  }
0x9b: {  	s22 =	simm.s32 $0x1BFF;
	s21 =	sshll.u32 s5, $0x1;
	s2 =	sadd.s32 s19, s18  }
0x9c: {  	s6 =	simm.s32 $0x0;
	s20 =	sshll.u32 s4, $0x1;
	s4 =	sadd.s32 s21, s2  }
0x9d: {  	[timem:s6], [sflag:s22] =	dma.local [hbm:s4], s20  }
0x9e: {  	_ =	swait.ge [sflag:s22], s20  }
0x9f: {  	s3 =	ssub.s32 $0x0, s20;
	[sflag:s22] =	ssyncset.done $0x0  }
0xa0: {  	[sflag:s22] =	ssyncadd.s32 s3;
	_ =	sdelay $0x1  }
0xa1: {  	s23 =	simm.s32 $0x1B8B  }
0xa2: {  	_ =	swait.ge [sflag:s23], $0x1  }
0xa3: {  	[sflag:s23] =	ssyncset.done $0x0  }
0xa4: {  	s25 =	simm.s32 $0x1B8E;
	s24 =	sld [smem:$0x3FFE];
	[sflag:s23] =	ssyncadd.s32 $0xFFFFFFFF  }
0xa5: {  	s26 =	simm.s32 $execute0_lowered;
	[smem:$0x3FD2] =	sst s25  }
0xa6: {  	s4 =	sshll.u32 s26, $0x1;
	_ =	strace $0x80000046;
	[dreg:$0x1] =	wrdreg $0xFFFFFFFF  }
0xa7: {  	s28 =	simm.s32 $_size_execute0_lowered;
	s2 =	sadd.s32 s2, s4;
	[dreg:$0x0] =	wrdreg $0x0  }
0xa8: {  	s4 =	sshll.u32 s28, $0x1;
	[dreg:$0x2] =	wrdreg s2  }
0xa9: {  	[dreg:$0x3] =	wrdreg s4  }
0xaa: {  	[dreg:$0x4] =	wrdreg $0xC0  }
0xab: {  	_ =	task [dreg:s6], $0x5FFFF  }
0xac: {  	[dreg:$0x1] =	wrdreg $0xFFFFFFFF  }
0xad: {  	[dreg:$0x0] =	wrdreg $0x60  }
0xae: {  	[dreg:$0x2] =	wrdreg s24  }
0xaf: {  	[dreg:$0x3] =	wrdreg $0x2B000  }
0xb0: {  	[dreg:$0x4] =	wrdreg $0x9  }
0xb1: {  	_ =	task.clear_ibuf [dreg:s6], $0x5FFFF;
	_ =	strace $0x90000046  }
0xb2: {  	s29 =	simm.s32 $0x9;
	_ =	strace $0x80000048  }
0xb3: {  	_ =	swait.ge [sflag:s29], $0x1  }
0xb4: {  	[sflag:s29] =	ssyncadd.s32 $0xFFFFFFFF  }
0xb5: {  	_ =	strace $0x90000048  }
0xb6: {  	_ =	sfence  }
0xb7: {  	s30 =	sld [smem:$0x0];
	_ =	sdelay $0x2  }
0xb8: {  	s31 =	sshll.u32 s1, $0xD;
	s1 =	sshrl.u32 s1, $0x2  }
0xb9: {  	s3 =	sand.u32 $0x4000, s31;
	s1 =	sadd.s32 s1, s30  }
0xba: {  	s0 =	sor.u32 s3, s0;
	s1 =	sshll.u32 s1, $0x11  }
0xbb: {  	s0 =	sor.u32 s1, s0  }
0xbc: {  	s0 =	sadd.s32 $0x8F2B, s0  }
0xbd: {  	[sflag:s0] =	ssyncadd.remote.s32 $0x1  }
0xbe: {  	_ =	sfence.sel $0xFFFF  }
0xbf: {  	[dreg:$0x0] =	wrdreg $0xFFFFFFFF;
	(pc) =	sbr.abs _section_cstart, $3  }
0xc0: {  	[dreg:$0x1] =	wrdreg $0xFFFFFFFF  }
0xc1: {  	_ =	task.clear_ibuf [dreg:s6], $0x2FFFF;
	_ =	strace $0x9FFFFFFF  }
0xc2: {  	(tm) =	ssettm $0x7FFFFFFF  }
0xc3: {  	_ =	shalt  }
tec
execute0_lowered:
.L_overlay_start_1:
0x0: {  	(tag) =	ssettag $0x1  }
0x1: {  	s4 =	rddreg [dreg:$0x0]  }
0x2: {  	s2 =	rddreg [dreg:$0x1]  }
0x3: {  	s0 =	rddreg [dreg:$0x2];
	s3 =	srdreg.scid  }
0x4: {  	s1 =	stileid.u32;
	s10 =	simm.s32 $0x80;
	s11 =	simm.s32 $0x2800  }
0x5: {  	s12 =	simm.s32 $0x1;
	s15 =	simm.s32 $0x0;
	s5 =	sand.u32 $0x1, s3  }
0x6: {  	s6 =	sshll.u32 s1, $0x1;
	s7 =	smul.u32 $0x280, s1;
	s3 =	simm.s32 $0x0  }
0x7: {  	s13 =	sshll.u32 s1, $0x6;
	s6 =	sor.u32 s5, s6;
	s8 =	smul.u32 $0x2800, s5  }
0x8: {  	[smem:$0x7FF] =	sst s3;
	s5 =	ssub.s32 $0x2, s5;
	s13 =	sor.u32 $0x1C02, s13  }
0x9: {  	s6 =	smul.u32 $0x500, s6;
	_ =	strace $0x80000047;
	s9 =	sshrl.u32 s5, $0x1  }
0xa: {  	s8 =	sadd.s32 s7, s8;
	s9 =	ssub.s32 s5, s9;
	s5 =	sadd.s32 s7, s2  }
0xb: {  	s6 =	sadd.s32 s6, s4;
	s8 =	sshrl.u32 s8, $0x3;
	s7 =	smax.u32 s9, $0x1  }
0xc: {  	s9 =	simm.s32 $0x2880;
	s14 =	sshrl.u32 s5, $0x3;
	s8 =	sadd.s32 s8, s4  }
0xd: {  	v0 =	vimm.f32 $1.000000000e+00;
	v1 =	vimm.f32 $0.0e+00;
	s4 =	sadd.s32 $0x2C00, s6;
	s6 =	sadd.s32 $0xCC00, s8;
	s8 =	simm.s32 $0x2  }
.LBB2_1:
0xe: {  	[tilespmem:s3], [sflag:$0x2] =	stream.linear.gather [hbm4b:s4+s3], $0x2800, $0x38;
	[tilespmem:$0x2D80] =	vst v63  }
0xf: {  	_ =	swait.ge [sflag:s8], $0x2800  }
0x10: {  	[sflag:s8] =	ssyncset.done $0x0  }
0x11: {  	[sflag:s8] =	ssyncadd.s32 $0xFFFFD800  }
0x12: {  	[tilespmem:$0x2800] =	vst v0  }
0x13: {  	[tilespmem:$0x2810] =	vst v0  }
0x14: {  	[tilespmem:$0x2820] =	vst v0  }
0x15: {  	[tilespmem:$0x2830] =	vst v0  }
0x16: {  	[tilespmem:$0x2840] =	vst v0  }
0x17: {  	[tilespmem:$0x2850] =	vst v0  }
0x18: {  	[tilespmem:$0x2860] =	vst v0  }
0x19: {  	[tilespmem:$0x2870] =	vst v0  }
0x1a: {  	[tilespmem:$0x2880] =	vst v1  }
0x1b: {  	[tilespmem:$0x2890] =	vst v1  }
0x1c: {  	[tilespmem:$0x28A0] =	vst v1  }
0x1d: {  	[tilespmem:$0x28B0] =	vst v1  }
0x1e: {  	[tilespmem:$0x28C0] =	vst v1  }
0x1f: {  	[tilespmem:$0x28D0] =	vst v1  }
0x20: {  	[tilespmem:$0x28E0] =	vst v1  }
0x21: {  	[tilespmem:$0x28F0] =	vst v1  }
0x22: {  	[tilespmem:$0x2900] =	vst v1  }
0x23: {  	[tilespmem:$0x2910] =	vst v1  }
0x24: {  	[tilespmem:$0x2920] =	vst v1  }
0x25: {  	[tilespmem:$0x2930] =	vst v1  }
0x26: {  	[tilespmem:$0x2940] =	vst v1  }
0x27: {  	[tilespmem:$0x2950] =	vst v1  }
0x28: {  	[tilespmem:$0x2960] =	vst v1  }
0x29: {  	[tilespmem:$0x2970] =	vst v1  }
0x2a: {  	[tilespmem:$0x2980] =	vst v1  }
0x2b: {  	[tilespmem:$0x2990] =	vst v1  }
0x2c: {  	[tilespmem:$0x29A0] =	vst v1  }
0x2d: {  	[tilespmem:$0x29B0] =	vst v1  }
0x2e: {  	[tilespmem:$0x29C0] =	vst v1  }
0x2f: {  	[tilespmem:$0x29D0] =	vst v1  }
0x30: {  	[tilespmem:$0x29E0] =	vst v1  }
0x31: {  	[tilespmem:$0x29F0] =	vst v1  }
0x32: {  	[tilespmem:$0x2A00] =	vst v1  }
0x33: {  	[tilespmem:$0x2A10] =	vst v1  }
0x34: {  	[tilespmem:$0x2A20] =	vst v1  }
0x35: {  	[tilespmem:$0x2A30] =	vst v1  }
0x36: {  	[tilespmem:$0x2A40] =	vst v1  }
0x37: {  	[tilespmem:$0x2A50] =	vst v1  }
0x38: {  	[tilespmem:$0x2A60] =	vst v1  }
0x39: {  	[tilespmem:$0x2A70] =	vst v1  }
0x3a: {  	[tilespmem:$0x2A80] =	vst v1  }
0x3b: {  	[tilespmem:$0x2A90] =	vst v1  }
0x3c: {  	[tilespmem:$0x2AA0] =	vst v1  }
0x3d: {  	[tilespmem:$0x2AB0] =	vst v1  }
0x3e: {  	[tilespmem:$0x2AC0] =	vst v1  }
0x3f: {  	[tilespmem:$0x2AD0] =	vst v1  }
0x40: {  	[tilespmem:$0x2AE0] =	vst v1  }
0x41: {  	[tilespmem:$0x2AF0] =	vst v1  }
0x42: {  	[spmem:s5] =	stream.linear.scatter [tilespmem:s9], [sflag:$0x2], $0x280, $0x38;
	[tilespmem:$0x2D80] =	vst v63  }
0x43: {  	_ =	swait.ge [sflag:s8], $0x280  }
0x44: {  	[sflag:s8] =	ssyncset.done $0x0  }
0x45: {  	[sflag:s8] =	ssyncadd.s32 $0xFFFFFD80  }
0x46: {  	s16 =	simm.s32 $0x0;
	[bflag:$0x0] =	sbarrier.arrive $0xFFFF  }
.LBB2_2:
0x47: {  	p0 =	sne.s32 s16, $0x9E00  }
.Ltmp0:
0x48: {  	_ = 	snop;
	(pc) =	sbr.rel @p0 .LBB2_2-.Ltmp0, $3  }
0x49: {  	_ =	sdelay $0x1  }
0x4a: {  	s17 =	sshra.s32 s16, $0x2;
	s16 =	sadd.s32 $0x200, s16  }
0x4b: {  	[spmem:s2] =	stream.indirect.scatter.add.f32 [tilespmem:s11], [sflag:$0x1], $0x1, s17, s10, $0xb8;
	[tilespmem:$0x2D80] =	vst v63  }
0x4c: {  	_ =	swait.ge [sflag:s12], $0x80  }
0x4d: {  	s16 =	simm.s32 $0x4F;
	[sflag:s12] =	ssyncset.done $0x0  }
.LBB2_4:
0x4e: {  	p0 =	sne.s32 s16, $0x1;
	s16 =	sadd.s32 $0xFFFFFFFF, s16;
	[sflag:s12] =	ssyncadd.s32 $0xFFFFFF80  }
.Ltmp1:
0x4f: {  	(pc) =	sbr.rel @p0 .LBB2_4-.Ltmp1, $3  }
0x50: {  	_ =	sdelay $0x1  }
0x51: {  	_ =	swait.ge [sflag:s12], $0x80  }
0x52: {  	[sflag:s12] =	ssyncset.done $0x0  }
0x53: {  	s15 =	sadd.s32 $0x1, s15  }
0x54: {  	[sflag:s12] =	ssyncadd.s32 $0xFFFFFF80;
	p0 =	sne.s32 s15, s7  }
.Ltmp2:
0x55: {  	[bflag:$0x0] =	sbarrier.arrive $0xFFFF;
	(pc) =	sbr.rel @p0 .LBB2_1-.Ltmp2, $4  }
0x56: {  	[hbm:s6], [sflag:s13] =	dma.local [spmem:s14], $0x50  }
0x57: {  	_ =	swait.ge [sflag:s8], $0x50  }
0x58: {  	[sflag:s8] =	ssyncset.done $0x0  }
0x59: {  	[sflag:s8] =	ssyncadd.s32 $0xFFFFFFB0  }
0x5a: {  	_ =	sfence.sel $0x180000  }
0x5b: {  	[bflag:$0x0] =	sbarrier.arrive $0xFFFF  }
0x5c: {  	p0 =	sne.s32 s1, $0x0;
	_ =	strace $0x90000047  }
0x5d: {  	s0 =	sadd.s32 @!p0 $0x100000, s0;
	[bflag:$0x2] =	sbarrier.arrive $0xFFFF  }
0x5e: {  	[sflag:s0] =	ssyncadd.tile.s32 @!p0 $0x1;
	_ =	shalt  }
.Lfunc_end2:
_tile_overlayer_lowered:
.L_overlay_start_2:
0x5f: {  	(tag) =	ssettag $0x2  }
0x60: {  	s0 =	rddreg [dreg:$0x0];
	s2 =	stileid.u32  }
0x61: {  	s1 =	rddreg [dreg:$0x1];
	p0 =	sne.s32 s2, $0x0  }
0x62: {  	s3 =	rddreg [dreg:$0x2];
	[bflag:$0x3] =	sbarrier.arrive $0xFFFF;
	s2 =	simm.s32 @!p0 $0x1C02  }
0x63: {  	[timem:s3], [sflag:s2] =	dma.local @!p0 [hbm:s0], s1  }
0x64: {  	s0 =	simm.s32 @!p0 $0x2  }
0x65: {  	_ =	swait.ge @!p0 [sflag:s0], s1  }
0x66: {  	s1 =	ssub.s32 @!p0 $0x0, s1;
	[sflag:s0] =	ssyncset.done @!p0 $0x0  }
0x67: {  	[sflag:s0] =	ssyncadd.s32 @!p0 s1  }
0x68: {  	[bflag:$0x3] =	sbarrier.arrive $0xFFFF  }
0x69: {  	_ =	shalt  }

</sc_bundles>
